<compile_context>
chip_gen: v7x
topology: tpu7x:2x2x1
jax: 0.10.2.dev20260603
libtpu: 0.0.44.dev20260713+nightly
codegen_flags: <defaults>
</compile_context>

<pallas_src>
import functools

import jax
import jax.numpy as jnp
from jax import lax
from jax.experimental import pallas as pl
from jax.experimental.pallas import tpu as pltpu
from jax.experimental.pallas import tpu_sc as plsc

B = 32
P = 512 * 512
NW = 32
L = 16
K = 1024
CH = 16384
NCH = P // CH

LO = -7.0
HI = 9.0
DELTA = (HI - LO) / K
INV_DELTA = 1.0 / DELTA


def _lovasz_body(
    logits_hbm, target_hbm, out_hbm,
    hist, lb0, tb0, lb1, tb1, ctot, cpos, obuf,
    sl0, st0, sl1, st1,
):
    wid = lax.axis_index("s") * 2 + lax.axis_index("c")
    rows_per_chunk = CH // 512

    zeros16i = jnp.zeros((L,), jnp.int32)
    lane_base = lax.iota(jnp.int32, L) * K
    lane_base_f = lane_base.astype(jnp.float32)
    iota16f = lax.iota(jnp.int32, L).astype(jnp.float32)
    qlo = lane_base_f
    qhi = lane_base_f + float(K - 1)
    qoff = lane_base_f + (HI - 1.0) * INV_DELTA

    @plsc.parallel_loop(0, (L * K) // L, unroll=8)
    def _zero(i):
        hist[pl.ds(i * L, L)] = zeros16i

    def hist_chunk(lbuf, tbuf):
        @plsc.parallel_loop(0, CH // L, unroll=8)
        def _hist(i):
            r = lax.shift_right_logical(i, 5)
            c = lax.shift_left(i & 31, 4)
            x = lbuf[r, pl.ds(c, L)]
            t = tbuf[r, pl.ds(c, L)]
            sbit = lax.shift_left(t ^ 1, 31)
            u = lax.bitcast_convert_type(
                lax.bitcast_convert_type(x, jnp.int32) ^ sbit, jnp.float32
            )
            addr_f = jnp.clip(u * INV_DELTA + qoff, qlo, qhi)
            val = 1 + lax.shift_left(t, 15)
            plsc.addupdate_scatter(hist, [addr_f.astype(jnp.int32)], val)

    def lsrc(c):
        return logits_hbm.at[wid, pl.ds(c * rows_per_chunk, rows_per_chunk), :]

    def tsrc(c):
        return target_hbm.at[wid, pl.ds(c * rows_per_chunk, rows_per_chunk), :]

    pltpu.async_copy(lsrc(0), lb0, sl0)
    pltpu.async_copy(tsrc(0), tb0, st0)

    def chunk_body(cc, carry):
        c0 = cc * 2
        pltpu.async_copy(lsrc(c0 + 1), lb1, sl1)
        pltpu.async_copy(tsrc(c0 + 1), tb1, st1)
        pltpu.make_async_copy(lsrc(0), lb0, sl0).wait()
        pltpu.make_async_copy(tsrc(0), tb0, st0).wait()
        hist_chunk(lb0, tb0)
        cn = jnp.minimum(c0 + 2, NCH - 2)
        pltpu.async_copy(lsrc(cn), lb0, sl0)
        pltpu.async_copy(tsrc(cn), tb0, st0)
        pltpu.make_async_copy(lsrc(0), lb1, sl1).wait()
        pltpu.make_async_copy(tsrc(0), tb1, st1).wait()
        hist_chunk(lb1, tb1)
        return carry

    lax.fori_loop(0, NCH // 2, chunk_body, 0)
    pltpu.make_async_copy(lsrc(0), lb0, sl0).wait()
    pltpu.make_async_copy(tsrc(0), tb0, st0).wait()

    def merge_body(blk, gacc):
        tot = zeros16i
        pos = zeros16i
        for l in range(L):
            v = hist[pl.ds(l * K + blk * L, L)]
            tot = tot + (v & 0x7FFF)
            pos = pos + lax.shift_right_logical(v, 15)
        posf = pos.astype(jnp.float32)
        ctot[pl.ds(blk * L, L)] = tot.astype(jnp.float32)
        cpos[pl.ds(blk * L, L)] = posf
        return gacc + posf

    gacc = lax.fori_loop(0, K // L, merge_body, jnp.zeros((L,), jnp.float32))
    gts = jnp.sum(gacc)

    def fin_body(blk, carry):
        ck, cp, accv = carry
        tot = ctot[pl.ds(blk * L, L)]
        pos = cpos[pl.ds(blk * L, L)]
        kc = ck + plsc.cumsum(tot)
        pc = cp + plsc.cumsum(pos)
        union = gts + kc - pc
        jac = jnp.where(
            kc >= 0.5, 1.0 - (gts - pc) / jnp.maximum(union, 0.5), 0.0
        )
        cq = HI - (blk.astype(jnp.float32) * float(L) + iota16f + 0.5) * DELTA
        w = jnp.maximum(cq, 0.0) - jnp.maximum(cq - DELTA, 0.0)
        return jnp.max(kc), jnp.max(pc), accv + jac * w

    init = (jnp.float32(0.0), jnp.float32(0.0), jnp.zeros((L,), jnp.float32))
    _, _, accv = lax.fori_loop(0, K // L, fin_body, init)

    loss = jnp.sum(accv)
    obuf[...] = jnp.zeros((L,), jnp.float32) + loss
    pltpu.sync_copy(obuf, out_hbm.at[wid])


_lovasz_sc = functools.partial(
    pl.kernel,
    out_type=jax.ShapeDtypeStruct((NW, L), jnp.float32),
    mesh=plsc.VectorSubcoreMesh(core_axis_name="c", subcore_axis_name="s"),
    compiler_params=pltpu.CompilerParams(needs_layout_passes=False),
    scratch_types=[
        pltpu.VMEM((L * K,), jnp.int32),
        pltpu.VMEM((CH // 512, 512), jnp.float32),
        pltpu.VMEM((CH // 512, 512), jnp.int32),
        pltpu.VMEM((CH // 512, 512), jnp.float32),
        pltpu.VMEM((CH // 512, 512), jnp.int32),
        pltpu.VMEM((K,), jnp.float32),
        pltpu.VMEM((K,), jnp.float32),
        pltpu.VMEM((L,), jnp.float32),
        pltpu.SemaphoreType.DMA,
        pltpu.SemaphoreType.DMA,
        pltpu.SemaphoreType.DMA,
        pltpu.SemaphoreType.DMA,
    ],
)(_lovasz_body)


def kernel(input, target):
    logits = jnp.squeeze(input, axis=1)
    tgt = jnp.squeeze(target, axis=1)
    out = _lovasz_sc(logits, tgt)
    return jnp.mean(out[:, 0])

# --- scband reference (transcript-rebuilt; emitter-appended) ---
"""Pipeline reference for scband-lovasz-hinge-loss-32641751449932 (READ-ONLY COPY).

The authoritative reference and input builder live on the scoring server;
editing this copy changes nothing except your own understanding.
"""

import jax, jax.numpy as jnp
import numpy as np


def lovasz_grad(gt_sorted):
    # gt_sorted: float [P] of 0/1 labels sorted by descending error
    gts = jnp.sum(gt_sorted)
    intersection = gts - jnp.cumsum(gt_sorted)
    union = gts + jnp.cumsum(1.0 - gt_sorted)
    jaccard = 1.0 - intersection / union
    # jaccard[1:] = jaccard[1:] - jaccard[:-1]
    jaccard = jnp.concatenate([jaccard[:1], jaccard[1:] - jaccard[:-1]])
    return jaccard


def lovasz_hinge_flat(logits, labels):
    # logits: float [P], labels: float [P] in {0,1}
    signs = 2.0 * labels - 1.0
    errors = 1.0 - logits * signs
    perm = jnp.argsort(-errors)  # descending sort of errors
    errors_sorted = errors[perm]
    gt_sorted = labels[perm]
    grad = jax.lax.stop_gradient(lovasz_grad(gt_sorted))
    return jnp.dot(jax.nn.relu(errors_sorted), grad)


def setup_inputs(seed: int = 0) -> dict:
    key = jax.random.key(seed)
    k1, k2 = jax.random.split(key)
    inp = jax.random.normal(k1, (32, 1, 512, 512), dtype=jnp.float32)
    target = jax.random.randint(k2, (32, 1, 512, 512), 0, 2).astype(jnp.int32)
    return {"input": inp, "target": target}


def reference(input, target):
    # squeeze channel dim, flatten per image, lovasz hinge per image, mean over images
    B = input.shape[0]
    logits = jnp.squeeze(input, axis=1).reshape(B, -1)
    labels = jnp.squeeze(target, axis=1).reshape(B, -1).astype(jnp.float32)
    losses = jax.vmap(lovasz_hinge_flat)(logits, labels)
    return jnp.mean(losses)

if __name__ == "__main__":
    import jax
    _d = setup_inputs()
    print(jax.jit(kernel)(*tuple(_d.values())))

</pallas_src>

<mosaic_0001>
#map = affine_map<(d0, d1) -> (0, 0, 0)>
#map1 = affine_map<(d0, d1) -> (0, 0)>
module attributes {stable_mosaic.version = 14 : i64} {
  func.func @_lovasz_body(%arg0: i32, %arg1: i32, %arg2: memref<32x512x512xf32, #tpu.memory_space<hbm>>, %arg3: memref<32x512x512xi32, #tpu.memory_space<hbm>>, %arg4: memref<32x16xf32, #tpu.memory_space<hbm>>, %arg5: memref<16384xi32, #tpu.memory_space<vmem>>, %arg6: memref<32x512xf32, #tpu.memory_space<vmem>>, %arg7: memref<32x512xi32, #tpu.memory_space<vmem>>, %arg8: memref<32x512xf32, #tpu.memory_space<vmem>>, %arg9: memref<32x512xi32, #tpu.memory_space<vmem>>, %arg10: memref<1024xf32, #tpu.memory_space<vmem>>, %arg11: memref<1024xf32, #tpu.memory_space<vmem>>, %arg12: memref<16xf32, #tpu.memory_space<vmem>>, %arg13: memref<!tpu.dma_semaphore, #tpu.memory_space<semaphore_mem>>, %arg14: memref<!tpu.dma_semaphore, #tpu.memory_space<semaphore_mem>>, %arg15: memref<!tpu.dma_semaphore, #tpu.memory_space<semaphore_mem>>, %arg16: memref<!tpu.dma_semaphore, #tpu.memory_space<semaphore_mem>>) attributes {dimension_semantics = [#tpu.dimension_semantics<core_parallel>, #tpu.dimension_semantics<subcore_parallel>], iteration_bounds = array<i64: 2, 16>, scalar_prefetch = 0 : i64, scratch_operands = 12 : i64, tpu.core_type = #tpu.core_type<sc_vector_subcore>, window_params = [{transform_indices = #map}, {transform_indices = #map}, {transform_indices = #map1}]} {
    %mul3A = arith.constant 2 : i32
    %mul3A_0 = arith.muli %arg1, %mul3A : i32
    %add3A = arith.addi %mul3A_0, %arg0 : i32
    %broadcast_in_dim3A = arith.constant 0 : i32
    %broadcast_in_dim3A_1 = vector.broadcast %broadcast_in_dim3A : i32 to vector<16xi32>
    %iota3A = tpu.iota {dimensions = array<i32: 0>} : vector<16xi32>
    %mul3A_2 = arith.constant 1024 : i32
    %mul3A_3 = vector.broadcast %mul3A_2 : i32 to vector<16xi32>
    %mul3A_4 = arith.muli %iota3A, %mul3A_3 : vector<16xi32>
    %convert_element_type3A = arith.sitofp %mul3A_4 : vector<16xi32> to vector<16xf32>
    %iota3A_5 = tpu.iota {dimensions = array<i32: 0>} : vector<16xi32>
    %convert_element_type3A_6 = arith.sitofp %iota3A_5 : vector<16xi32> to vector<16xf32>
    %add3A_7 = arith.constant 1.023000e+03 : f32
    %add3A_8 = vector.broadcast %add3A_7 : f32 to vector<16xf32>
    %add3A_9 = arith.addf %convert_element_type3A, %add3A_8 : vector<16xf32>
    %add3A_10 = arith.constant 5.120000e+02 : f32
    %add3A_11 = vector.broadcast %add3A_10 : f32 to vector<16xf32>
    %add3A_12 = arith.addf %convert_element_type3A, %add3A_11 : vector<16xf32>
    %parallel_loop3A = arith.constant 0 : i32
    %parallel_loop3A_13 = arith.constant 1024 : i32
    %parallel_loop3A_14 = arith.constant 1 : i32
    scf.for %parallel_loop3A_80 = %parallel_loop3A to %parallel_loop3A_13 step %parallel_loop3A_14  : i32 {
      %parallel_loop3A_81 = arith.constant 16 : i32
      %parallel_loop3A_82 = arith.muli %parallel_loop3A_80, %parallel_loop3A_81 : i32
      %parallel_loop3A_83 = arith.index_cast %parallel_loop3A_82 : i32 to index
      %parallel_loop3A_84 = tpu.vector_load %arg5[%parallel_loop3A_83] {strides = array<i32>} : memref<16384xi32, #tpu.memory_space<vmem>>, vector<16xi32>,
      tpu.vector_store %arg5[%parallel_loop3A_83], %broadcast_in_dim3A_1 {strides = array<i32>} : memref<16384xi32, #tpu.memory_space<vmem>>, vector<16xi32>,
    } {sc.loop_unroll_factor = 8 : i64, sc.parallel_access}
    %dma_start3A = arith.constant 0 : i32
    %dma_start3A_15 = arith.constant 0 : i32
    %dma_start3A_16 = tpu.memref_slice %arg2[%add3A, %dma_start3A, %dma_start3A_15] : memref<32x512x512xf32, #tpu.memory_space<hbm>> -> memref<1x32x512xf32, #tpu.memory_space<hbm>>
    %dma_start3A_17 = tpu.memref_squeeze %dma_start3A_16 : memref<1x32x512xf32, #tpu.memory_space<hbm>> -> memref<32x512xf32, #tpu.memory_space<hbm>>
    %dma_start3A_18 = arith.constant 0 : i32
    %dma_start3A_19 = arith.constant 0 : i32
    %dma_start3A_20 = tpu.memref_slice %arg2[%add3A, %dma_start3A_18, %dma_start3A_19] : memref<32x512x512xf32, #tpu.memory_space<hbm>> -> memref<1x32x512xf32, #tpu.memory_space<hbm>>
    %dma_start3A_21 = tpu.memref_squeeze %dma_start3A_20 : memref<1x32x512xf32, #tpu.memory_space<hbm>> -> memref<32x512xf32, #tpu.memory_space<hbm>>
    tpu.enqueue_dma source(%dma_start3A_21 : memref<32x512xf32, #tpu.memory_space<hbm>>) target(%arg6 : memref<32x512xf32, #tpu.memory_space<vmem>>) target_semaphore(%arg13 : memref<!tpu.dma_semaphore, #tpu.memory_space<semaphore_mem>>)
    %dma_start3A_22 = arith.constant 0 : i32
    %dma_start3A_23 = arith.constant 0 : i32
    %dma_start3A_24 = tpu.memref_slice %arg3[%add3A, %dma_start3A_22, %dma_start3A_23] : memref<32x512x512xi32, #tpu.memory_space<hbm>> -> memref<1x32x512xi32, #tpu.memory_space<hbm>>
    %dma_start3A_25 = tpu.memref_squeeze %dma_start3A_24 : memref<1x32x512xi32, #tpu.memory_space<hbm>> -> memref<32x512xi32, #tpu.memory_space<hbm>>
    %dma_start3A_26 = arith.constant 0 : i32
    %dma_start3A_27 = arith.constant 0 : i32
    %dma_start3A_28 = tpu.memref_slice %arg3[%add3A, %dma_start3A_26, %dma_start3A_27] : memref<32x512x512xi32, #tpu.memory_space<hbm>> -> memref<1x32x512xi32, #tpu.memory_space<hbm>>
    %dma_start3A_29 = tpu.memref_squeeze %dma_start3A_28 : memref<1x32x512xi32, #tpu.memory_space<hbm>> -> memref<32x512xi32, #tpu.memory_space<hbm>>
    tpu.enqueue_dma source(%dma_start3A_29 : memref<32x512xi32, #tpu.memory_space<hbm>>) target(%arg7 : memref<32x512xi32, #tpu.memory_space<vmem>>) target_semaphore(%arg14 : memref<!tpu.dma_semaphore, #tpu.memory_space<semaphore_mem>>)
    %scan3A = arith.constant 0 : i32
    %scan3A_30 = arith.constant 0 : i32
    %scan3A_31 = arith.constant 8 : i32
    %scan3A_32 = arith.addi %scan3A_30, %scan3A_31 : i32
    %scan3A_33 = arith.constant 1 : i32
    scf.for %scan3A_80 = %scan3A_30 to %scan3A_32 step %scan3A_33  : i32 {
      %mul3A_81 = arith.constant 2 : i32
      %mul3A_82 = arith.muli %scan3A_80, %mul3A_81 : i32
      %add3A_83 = arith.constant 1 : i32
      %add3A_84 = arith.addi %mul3A_82, %add3A_83 : i32
      %mul3A_85 = arith.constant 32 : i32
      %mul3A_86 = arith.muli %add3A_84, %mul3A_85 : i32
      %dma_start3A_87 = arith.constant 0 : i32
      %dma_start3A_88 = tpu.memref_slice %arg2[%add3A, %mul3A_86, %dma_start3A_87] : memref<32x512x512xf32, #tpu.memory_space<hbm>> -> memref<1x32x512xf32, #tpu.memory_space<hbm>>
      %dma_start3A_89 = tpu.memref_squeeze %dma_start3A_88 : memref<1x32x512xf32, #tpu.memory_space<hbm>> -> memref<32x512xf32, #tpu.memory_space<hbm>>
      %dma_start3A_90 = arith.constant 0 : i32
      %dma_start3A_91 = tpu.memref_slice %arg2[%add3A, %mul3A_86, %dma_start3A_90] : memref<32x512x512xf32, #tpu.memory_space<hbm>> -> memref<1x32x512xf32, #tpu.memory_space<hbm>>
      %dma_start3A_92 = tpu.memref_squeeze %dma_start3A_91 : memref<1x32x512xf32, #tpu.memory_space<hbm>> -> memref<32x512xf32, #tpu.memory_space<hbm>>
      tpu.enqueue_dma source(%dma_start3A_92 : memref<32x512xf32, #tpu.memory_space<hbm>>) target(%arg8 : memref<32x512xf32, #tpu.memory_space<vmem>>) target_semaphore(%arg15 : memref<!tpu.dma_semaphore, #tpu.memory_space<semaphore_mem>>)
      %add3A_93 = arith.constant 1 : i32
      %add3A_94 = arith.addi %mul3A_82, %add3A_93 : i32
      %mul3A_95 = arith.constant 32 : i32
      %mul3A_96 = arith.muli %add3A_94, %mul3A_95 : i32
      %dma_start3A_97 = arith.constant 0 : i32
      %dma_start3A_98 = tpu.memref_slice %arg3[%add3A, %mul3A_96, %dma_start3A_97] : memref<32x512x512xi32, #tpu.memory_space<hbm>> -> memref<1x32x512xi32, #tpu.memory_space<hbm>>
      %dma_start3A_99 = tpu.memref_squeeze %dma_start3A_98 : memref<1x32x512xi32, #tpu.memory_space<hbm>> -> memref<32x512xi32, #tpu.memory_space<hbm>>
      %dma_start3A_100 = arith.constant 0 : i32
      %dma_start3A_101 = tpu.memref_slice %arg3[%add3A, %mul3A_96, %dma_start3A_100] : memref<32x512x512xi32, #tpu.memory_space<hbm>> -> memref<1x32x512xi32, #tpu.memory_space<hbm>>
      %dma_start3A_102 = tpu.memref_squeeze %dma_start3A_101 : memref<1x32x512xi32, #tpu.memory_space<hbm>> -> memref<32x512xi32, #tpu.memory_space<hbm>>
      tpu.enqueue_dma source(%dma_start3A_102 : memref<32x512xi32, #tpu.memory_space<hbm>>) target(%arg9 : memref<32x512xi32, #tpu.memory_space<vmem>>) target_semaphore(%arg16 : memref<!tpu.dma_semaphore, #tpu.memory_space<semaphore_mem>>)
      %dma_wait3A_103 = arith.constant 0 : i32
      %dma_wait3A_104 = arith.constant 0 : i32
      %dma_wait3A_105 = tpu.memref_slice %arg2[%add3A, %dma_wait3A_103, %dma_wait3A_104] : memref<32x512x512xf32, #tpu.memory_space<hbm>> -> memref<1x32x512xf32, #tpu.memory_space<hbm>>
      %dma_wait3A_106 = tpu.memref_squeeze %dma_wait3A_105 : memref<1x32x512xf32, #tpu.memory_space<hbm>> -> memref<32x512xf32, #tpu.memory_space<hbm>>
      %dma_wait3A_107 = arith.constant 0 : i32
      %dma_wait3A_108 = arith.constant 0 : i32
      %dma_wait3A_109 = tpu.memref_slice %arg2[%add3A, %dma_wait3A_107, %dma_wait3A_108] : memref<32x512x512xf32, #tpu.memory_space<hbm>> -> memref<1x32x512xf32, #tpu.memory_space<hbm>>
      %dma_wait3A_110 = tpu.memref_squeeze %dma_wait3A_109 : memref<1x32x512xf32, #tpu.memory_space<hbm>> -> memref<32x512xf32, #tpu.memory_space<hbm>>
      tpu.wait_dma2 semaphore(%arg13 : memref<!tpu.dma_semaphore, #tpu.memory_space<semaphore_mem>>) src(%dma_wait3A_110 : memref<32x512xf32, #tpu.memory_space<hbm>>) dst(%arg6 : memref<32x512xf32, #tpu.memory_space<vmem>>)
      %dma_wait3A_111 = arith.constant 0 : i32
      %dma_wait3A_112 = arith.constant 0 : i32
      %dma_wait3A_113 = tpu.memref_slice %arg3[%add3A, %dma_wait3A_111, %dma_wait3A_112] : memref<32x512x512xi32, #tpu.memory_space<hbm>> -> memref<1x32x512xi32, #tpu.memory_space<hbm>>
      %dma_wait3A_114 = tpu.memref_squeeze %dma_wait3A_113 : memref<1x32x512xi32, #tpu.memory_space<hbm>> -> memref<32x512xi32, #tpu.memory_space<hbm>>
      %dma_wait3A_115 = arith.constant 0 : i32
      %dma_wait3A_116 = arith.constant 0 : i32
      %dma_wait3A_117 = tpu.memref_slice %arg3[%add3A, %dma_wait3A_115, %dma_wait3A_116] : memref<32x512x512xi32, #tpu.memory_space<hbm>> -> memref<1x32x512xi32, #tpu.memory_space<hbm>>
      %dma_wait3A_118 = tpu.memref_squeeze %dma_wait3A_117 : memref<1x32x512xi32, #tpu.memory_space<hbm>> -> memref<32x512xi32, #tpu.memory_space<hbm>>
      tpu.wait_dma2 semaphore(%arg14 : memref<!tpu.dma_semaphore, #tpu.memory_space<semaphore_mem>>) src(%dma_wait3A_118 : memref<32x512xi32, #tpu.memory_space<hbm>>) dst(%arg7 : memref<32x512xi32, #tpu.memory_space<vmem>>)
      %parallel_loop3A_119 = arith.constant 0 : i32
      %parallel_loop3A_120 = arith.constant 1024 : i32
      %parallel_loop3A_121 = arith.constant 1 : i32
      scf.for %parallel_loop3A_160 = %parallel_loop3A_119 to %parallel_loop3A_120 step %parallel_loop3A_121  : i32 {
        %parallel_loop3A_161 = arith.constant 5 : i32
        %parallel_loop3A_162 = arith.shrui %parallel_loop3A_160, %parallel_loop3A_161 : i32
        %parallel_loop3A_163 = arith.constant 31 : i32
        %parallel_loop3A_164 = arith.andi %parallel_loop3A_160, %parallel_loop3A_163 : i32
        %parallel_loop3A_165 = arith.constant 4 : i32
        %parallel_loop3A_166 = arith.shli %parallel_loop3A_164, %parallel_loop3A_165 : i32
        %parallel_loop3A_167 = arith.index_cast %parallel_loop3A_162 : i32 to index
        %parallel_loop3A_168 = arith.index_cast %parallel_loop3A_166 : i32 to index
        %parallel_loop3A_169 = tpu.vector_load %arg6[%parallel_loop3A_167, %parallel_loop3A_168] {strides = array<i32>} : memref<32x512xf32, #tpu.memory_space<vmem>>, vector<16xf32>,
        %parallel_loop3A_170 = arith.index_cast %parallel_loop3A_162 : i32 to index
        %parallel_loop3A_171 = arith.index_cast %parallel_loop3A_166 : i32 to index
        %parallel_loop3A_172 = tpu.vector_load %arg7[%parallel_loop3A_170, %parallel_loop3A_171] {strides = array<i32>} : memref<32x512xi32, #tpu.memory_space<vmem>>, vector<16xi32>,
        %parallel_loop3A_173 = arith.constant 1 : i32
        %parallel_loop3A_174 = vector.broadcast %parallel_loop3A_173 : i32 to vector<16xi32>
        %parallel_loop3A_175 = arith.xori %parallel_loop3A_172, %parallel_loop3A_174 : vector<16xi32>
        %parallel_loop3A_176 = arith.constant 31 : i32
        %parallel_loop3A_177 = vector.broadcast %parallel_loop3A_176 : i32 to vector<16xi32>
        %parallel_loop3A_178 = arith.shli %parallel_loop3A_175, %parallel_loop3A_177 : vector<16xi32>
        %parallel_loop3A_179 = tpu.bitcast %parallel_loop3A_169 : vector<16xf32> -> vector<16xi32>
        %parallel_loop3A_180 = arith.xori %parallel_loop3A_179, %parallel_loop3A_178 : vector<16xi32>
        %parallel_loop3A_181 = tpu.bitcast %parallel_loop3A_180 : vector<16xi32> -> vector<16xf32>
        %parallel_loop3A_182 = arith.constant 6.400000e+01 : f32
        %parallel_loop3A_183 = vector.broadcast %parallel_loop3A_182 : f32 to vector<16xf32>
        %parallel_loop3A_184 = arith.mulf %parallel_loop3A_181, %parallel_loop3A_183 : vector<16xf32>
        %parallel_loop3A_185 = arith.addf %parallel_loop3A_184, %add3A_12 : vector<16xf32>
        %parallel_loop3A_186 = arith.maximumf %convert_element_type3A, %parallel_loop3A_185 : vector<16xf32>
        %parallel_loop3A_187 = arith.minimumf %add3A_9, %parallel_loop3A_186 : vector<16xf32>
        %parallel_loop3A_188 = arith.constant 15 : i32
        %parallel_loop3A_189 = vector.broadcast %parallel_loop3A_188 : i32 to vector<16xi32>
        %parallel_loop3A_190 = arith.shli %parallel_loop3A_172, %parallel_loop3A_189 : vector<16xi32>
        %parallel_loop3A_191 = arith.constant 1 : i32
        %parallel_loop3A_192 = vector.broadcast %parallel_loop3A_191 : i32 to vector<16xi32>
        %parallel_loop3A_193 = arith.addi %parallel_loop3A_192, %parallel_loop3A_190 : vector<16xi32>
        %parallel_loop3A_194 = arith.fptosi %parallel_loop3A_187 : vector<16xf32> to vector<16xi32>
        tpu.vector_store_idx %arg5[%parallel_loop3A_194], %parallel_loop3A_193 {add = true} : memref<16384xi32, #tpu.memory_space<vmem>>[vector<16xi32>], vector<16xi32>,
      } {sc.loop_unroll_factor = 8 : i64, sc.parallel_access}
      %add3A_122 = arith.constant 2 : i32
      %add3A_123 = arith.addi %mul3A_82, %add3A_122 : i32
      %min3A = arith.constant 14 : i32
      %min3A_124 = arith.minsi %add3A_123, %min3A : i32
      %mul3A_125 = arith.constant 32 : i32
      %mul3A_126 = arith.muli %min3A_124, %mul3A_125 : i32
      %dma_start3A_127 = arith.constant 0 : i32
      %dma_start3A_128 = tpu.memref_slice %arg2[%add3A, %mul3A_126, %dma_start3A_127] : memref<32x512x512xf32, #tpu.memory_space<hbm>> -> memref<1x32x512xf32, #tpu.memory_space<hbm>>
      %dma_start3A_129 = tpu.memref_squeeze %dma_start3A_128 : memref<1x32x512xf32, #tpu.memory_space<hbm>> -> memref<32x512xf32, #tpu.memory_space<hbm>>
      %dma_start3A_130 = arith.constant 0 : i32
      %dma_start3A_131 = tpu.memref_slice %arg2[%add3A, %mul3A_126, %dma_start3A_130] : memref<32x512x512xf32, #tpu.memory_space<hbm>> -> memref<1x32x512xf32, #tpu.memory_space<hbm>>
      %dma_start3A_132 = tpu.memref_squeeze %dma_start3A_131 : memref<1x32x512xf32, #tpu.memory_space<hbm>> -> memref<32x512xf32, #tpu.memory_space<hbm>>
      tpu.enqueue_dma source(%dma_start3A_132 : memref<32x512xf32, #tpu.memory_space<hbm>>) target(%arg6 : memref<32x512xf32, #tpu.memory_space<vmem>>) target_semaphore(%arg13 : memref<!tpu.dma_semaphore, #tpu.memory_space<semaphore_mem>>)
      %mul3A_133 = arith.constant 32 : i32
      %mul3A_134 = arith.muli %min3A_124, %mul3A_133 : i32
      %dma_start3A_135 = arith.constant 0 : i32
      %dma_start3A_136 = tpu.memref_slice %arg3[%add3A, %mul3A_134, %dma_start3A_135] : memref<32x512x512xi32, #tpu.memory_space<hbm>> -> memref<1x32x512xi32, #tpu.memory_space<hbm>>
      %dma_start3A_137 = tpu.memref_squeeze %dma_start3A_136 : memref<1x32x512xi32, #tpu.memory_space<hbm>> -> memref<32x512xi32, #tpu.memory_space<hbm>>
      %dma_start3A_138 = arith.constant 0 : i32
      %dma_start3A_139 = tpu.memref_slice %arg3[%add3A, %mul3A_134, %dma_start3A_138] : memref<32x512x512xi32, #tpu.memory_space<hbm>> -> memref<1x32x512xi32, #tpu.memory_space<hbm>>
      %dma_start3A_140 = tpu.memref_squeeze %dma_start3A_139 : memref<1x32x512xi32, #tpu.memory_space<hbm>> -> memref<32x512xi32, #tpu.memory_space<hbm>>
      tpu.enqueue_dma source(%dma_start3A_140 : memref<32x512xi32, #tpu.memory_space<hbm>>) target(%arg7 : memref<32x512xi32, #tpu.memory_space<vmem>>) target_semaphore(%arg14 : memref<!tpu.dma_semaphore, #tpu.memory_space<semaphore_mem>>)
      %dma_wait3A_141 = arith.constant 0 : i32
      %dma_wait3A_142 = arith.constant 0 : i32
      %dma_wait3A_143 = tpu.memref_slice %arg2[%add3A, %dma_wait3A_141, %dma_wait3A_142] : memref<32x512x512xf32, #tpu.memory_space<hbm>> -> memref<1x32x512xf32, #tpu.memory_space<hbm>>
      %dma_wait3A_144 = tpu.memref_squeeze %dma_wait3A_143 : memref<1x32x512xf32, #tpu.memory_space<hbm>> -> memref<32x512xf32, #tpu.memory_space<hbm>>
      %dma_wait3A_145 = arith.constant 0 : i32
      %dma_wait3A_146 = arith.constant 0 : i32
      %dma_wait3A_147 = tpu.memref_slice %arg2[%add3A, %dma_wait3A_145, %dma_wait3A_146] : memref<32x512x512xf32, #tpu.memory_space<hbm>> -> memref<1x32x512xf32, #tpu.memory_space<hbm>>
      %dma_wait3A_148 = tpu.memref_squeeze %dma_wait3A_147 : memref<1x32x512xf32, #tpu.memory_space<hbm>> -> memref<32x512xf32, #tpu.memory_space<hbm>>
      tpu.wait_dma2 semaphore(%arg15 : memref<!tpu.dma_semaphore, #tpu.memory_space<semaphore_mem>>) src(%dma_wait3A_148 : memref<32x512xf32, #tpu.memory_space<hbm>>) dst(%arg8 : memref<32x512xf32, #tpu.memory_space<vmem>>)
      %dma_wait3A_149 = arith.constant 0 : i32
      %dma_wait3A_150 = arith.constant 0 : i32
      %dma_wait3A_151 = tpu.memref_slice %arg3[%add3A, %dma_wait3A_149, %dma_wait3A_150] : memref<32x512x512xi32, #tpu.memory_space<hbm>> -> memref<1x32x512xi32, #tpu.memory_space<hbm>>
      %dma_wait3A_152 = tpu.memref_squeeze %dma_wait3A_151 : memref<1x32x512xi32, #tpu.memory_space<hbm>> -> memref<32x512xi32, #tpu.memory_space<hbm>>
      %dma_wait3A_153 = arith.constant 0 : i32
      %dma_wait3A_154 = arith.constant 0 : i32
      %dma_wait3A_155 = tpu.memref_slice %arg3[%add3A, %dma_wait3A_153, %dma_wait3A_154] : memref<32x512x512xi32, #tpu.memory_space<hbm>> -> memref<1x32x512xi32, #tpu.memory_space<hbm>>
      %dma_wait3A_156 = tpu.memref_squeeze %dma_wait3A_155 : memref<1x32x512xi32, #tpu.memory_space<hbm>> -> memref<32x512xi32, #tpu.memory_space<hbm>>
      tpu.wait_dma2 semaphore(%arg16 : memref<!tpu.dma_semaphore, #tpu.memory_space<semaphore_mem>>) src(%dma_wait3A_156 : memref<32x512xi32, #tpu.memory_space<hbm>>) dst(%arg9 : memref<32x512xi32, #tpu.memory_space<vmem>>)
      %parallel_loop3A_157 = arith.constant 0 : i32
      %parallel_loop3A_158 = arith.constant 1024 : i32
      %parallel_loop3A_159 = arith.constant 1 : i32
      scf.for %parallel_loop3A_160 = %parallel_loop3A_157 to %parallel_loop3A_158 step %parallel_loop3A_159  : i32 {
        %parallel_loop3A_161 = arith.constant 5 : i32
        %parallel_loop3A_162 = arith.shrui %parallel_loop3A_160, %parallel_loop3A_161 : i32
        %parallel_loop3A_163 = arith.constant 31 : i32
        %parallel_loop3A_164 = arith.andi %parallel_loop3A_160, %parallel_loop3A_163 : i32
        %parallel_loop3A_165 = arith.constant 4 : i32
        %parallel_loop3A_166 = arith.shli %parallel_loop3A_164, %parallel_loop3A_165 : i32
        %parallel_loop3A_167 = arith.index_cast %parallel_loop3A_162 : i32 to index
        %parallel_loop3A_168 = arith.index_cast %parallel_loop3A_166 : i32 to index
        %parallel_loop3A_169 = tpu.vector_load %arg8[%parallel_loop3A_167, %parallel_loop3A_168] {strides = array<i32>} : memref<32x512xf32, #tpu.memory_space<vmem>>, vector<16xf32>,
        %parallel_loop3A_170 = arith.index_cast %parallel_loop3A_162 : i32 to index
        %parallel_loop3A_171 = arith.index_cast %parallel_loop3A_166 : i32 to index
        %parallel_loop3A_172 = tpu.vector_load %arg9[%parallel_loop3A_170, %parallel_loop3A_171] {strides = array<i32>} : memref<32x512xi32, #tpu.memory_space<vmem>>, vector<16xi32>,
        %parallel_loop3A_173 = arith.constant 1 : i32
        %parallel_loop3A_174 = vector.broadcast %parallel_loop3A_173 : i32 to vector<16xi32>
        %parallel_loop3A_175 = arith.xori %parallel_loop3A_172, %parallel_loop3A_174 : vector<16xi32>
        %parallel_loop3A_176 = arith.constant 31 : i32
        %parallel_loop3A_177 = vector.broadcast %parallel_loop3A_176 : i32 to vector<16xi32>
        %parallel_loop3A_178 = arith.shli %parallel_loop3A_175, %parallel_loop3A_177 : vector<16xi32>
        %parallel_loop3A_179 = tpu.bitcast %parallel_loop3A_169 : vector<16xf32> -> vector<16xi32>
        %parallel_loop3A_180 = arith.xori %parallel_loop3A_179, %parallel_loop3A_178 : vector<16xi32>
        %parallel_loop3A_181 = tpu.bitcast %parallel_loop3A_180 : vector<16xi32> -> vector<16xf32>
        %parallel_loop3A_182 = arith.constant 6.400000e+01 : f32
        %parallel_loop3A_183 = vector.broadcast %parallel_loop3A_182 : f32 to vector<16xf32>
        %parallel_loop3A_184 = arith.mulf %parallel_loop3A_181, %parallel_loop3A_183 : vector<16xf32>
        %parallel_loop3A_185 = arith.addf %parallel_loop3A_184, %add3A_12 : vector<16xf32>
        %parallel_loop3A_186 = arith.maximumf %convert_element_type3A, %parallel_loop3A_185 : vector<16xf32>
        %parallel_loop3A_187 = arith.minimumf %add3A_9, %parallel_loop3A_186 : vector<16xf32>
        %parallel_loop3A_188 = arith.constant 15 : i32
        %parallel_loop3A_189 = vector.broadcast %parallel_loop3A_188 : i32 to vector<16xi32>
        %parallel_loop3A_190 = arith.shli %parallel_loop3A_172, %parallel_loop3A_189 : vector<16xi32>
        %parallel_loop3A_191 = arith.constant 1 : i32
        %parallel_loop3A_192 = vector.broadcast %parallel_loop3A_191 : i32 to vector<16xi32>
        %parallel_loop3A_193 = arith.addi %parallel_loop3A_192, %parallel_loop3A_190 : vector<16xi32>
        %parallel_loop3A_194 = arith.fptosi %parallel_loop3A_187 : vector<16xf32> to vector<16xi32>
        tpu.vector_store_idx %arg5[%parallel_loop3A_194], %parallel_loop3A_193 {add = true} : memref<16384xi32, #tpu.memory_space<vmem>>[vector<16xi32>], vector<16xi32>,
      } {sc.loop_unroll_factor = 8 : i64, sc.parallel_access}
    }
    %scan3A_34 = arith.constant 8 : i32
    %dma_wait3A = arith.constant 0 : i32
    %dma_wait3A_35 = arith.constant 0 : i32
    %dma_wait3A_36 = tpu.memref_slice %arg2[%add3A, %dma_wait3A, %dma_wait3A_35] : memref<32x512x512xf32, #tpu.memory_space<hbm>> -> memref<1x32x512xf32, #tpu.memory_space<hbm>>
    %dma_wait3A_37 = tpu.memref_squeeze %dma_wait3A_36 : memref<1x32x512xf32, #tpu.memory_space<hbm>> -> memref<32x512xf32, #tpu.memory_space<hbm>>
    %dma_wait3A_38 = arith.constant 0 : i32
    %dma_wait3A_39 = arith.constant 0 : i32
    %dma_wait3A_40 = tpu.memref_slice %arg2[%add3A, %dma_wait3A_38, %dma_wait3A_39] : memref<32x512x512xf32, #tpu.memory_space<hbm>> -> memref<1x32x512xf32, #tpu.memory_space<hbm>>
    %dma_wait3A_41 = tpu.memref_squeeze %dma_wait3A_40 : memref<1x32x512xf32, #tpu.memory_space<hbm>> -> memref<32x512xf32, #tpu.memory_space<hbm>>
    tpu.wait_dma2 semaphore(%arg13 : memref<!tpu.dma_semaphore, #tpu.memory_space<semaphore_mem>>) src(%dma_wait3A_41 : memref<32x512xf32, #tpu.memory_space<hbm>>) dst(%arg6 : memref<32x512xf32, #tpu.memory_space<vmem>>)
    %dma_wait3A_42 = arith.constant 0 : i32
    %dma_wait3A_43 = arith.constant 0 : i32
    %dma_wait3A_44 = tpu.memref_slice %arg3[%add3A, %dma_wait3A_42, %dma_wait3A_43] : memref<32x512x512xi32, #tpu.memory_space<hbm>> -> memref<1x32x512xi32, #tpu.memory_space<hbm>>
    %dma_wait3A_45 = tpu.memref_squeeze %dma_wait3A_44 : memref<1x32x512xi32, #tpu.memory_space<hbm>> -> memref<32x512xi32, #tpu.memory_space<hbm>>
    %dma_wait3A_46 = arith.constant 0 : i32
    %dma_wait3A_47 = arith.constant 0 : i32
    %dma_wait3A_48 = tpu.memref_slice %arg3[%add3A, %dma_wait3A_46, %dma_wait3A_47] : memref<32x512x512xi32, #tpu.memory_space<hbm>> -> memref<1x32x512xi32, #tpu.memory_space<hbm>>
    %dma_wait3A_49 = tpu.memref_squeeze %dma_wait3A_48 : memref<1x32x512xi32, #tpu.memory_space<hbm>> -> memref<32x512xi32, #tpu.memory_space<hbm>>
    tpu.wait_dma2 semaphore(%arg14 : memref<!tpu.dma_semaphore, #tpu.memory_space<semaphore_mem>>) src(%dma_wait3A_49 : memref<32x512xi32, #tpu.memory_space<hbm>>) dst(%arg7 : memref<32x512xi32, #tpu.memory_space<vmem>>)
    %broadcast_in_dim3A_50 = arith.constant 0.000000e+00 : f32
    %broadcast_in_dim3A_51 = vector.broadcast %broadcast_in_dim3A_50 : f32 to vector<16xf32>
    %scan3A_52 = arith.constant 0 : i32
    %scan3A_53 = arith.constant 64 : i32
    %scan3A_54 = arith.addi %scan3A_52, %scan3A_53 : i32
    %scan3A_55 = arith.constant 1 : i32
    %scan3A_56 = scf.for %scan3A_80 = %scan3A_52 to %scan3A_54 step %scan3A_55 iter_args(%scan3A_81 = %broadcast_in_dim3A_51) -> (vector<16xf32>)  : i32 {
      %mul3A_82 = arith.constant 16 : i32
      %mul3A_83 = arith.muli %scan3A_80, %mul3A_82 : i32
      %add3A_84 = arith.constant 0 : i32
      %add3A_85 = arith.addi %add3A_84, %mul3A_83 : i32
      %get3A = arith.index_cast %add3A_85 : i32 to index
      %get3A_86 = tpu.vector_load %arg5[%get3A] {strides = array<i32>} : memref<16384xi32, #tpu.memory_space<vmem>>, vector<16xi32>,
      %and3A = arith.constant 32767 : i32
      %and3A_87 = vector.broadcast %and3A : i32 to vector<16xi32>
      %and3A_88 = arith.andi %get3A_86, %and3A_87 : vector<16xi32>
      %add3A_89 = arith.addi %broadcast_in_dim3A_1, %and3A_88 : vector<16xi32>
      %shift_right_logical3A = arith.constant 15 : i32
      %shift_right_logical3A_90 = vector.broadcast %shift_right_logical3A : i32 to vector<16xi32>
      %shift_right_logical3A_91 = arith.shrui %get3A_86, %shift_right_logical3A_90 : vector<16xi32>
      %add3A_92 = arith.addi %broadcast_in_dim3A_1, %shift_right_logical3A_91 : vector<16xi32>
      %mul3A_93 = arith.constant 16 : i32
      %mul3A_94 = arith.muli %scan3A_80, %mul3A_93 : i32
      %add3A_95 = arith.constant 1024 : i32
      %add3A_96 = arith.addi %add3A_95, %mul3A_94 : i32
      %get3A_97 = arith.index_cast %add3A_96 : i32 to index
      %get3A_98 = tpu.vector_load %arg5[%get3A_97] {strides = array<i32>} : memref<16384xi32, #tpu.memory_space<vmem>>, vector<16xi32>,
      %and3A_99 = arith.constant 32767 : i32
      %and3A_100 = vector.broadcast %and3A_99 : i32 to vector<16xi32>
      %and3A_101 = arith.andi %get3A_98, %and3A_100 : vector<16xi32>
      %add3A_102 = arith.addi %add3A_89, %and3A_101 : vector<16xi32>
      %shift_right_logical3A_103 = arith.constant 15 : i32
      %shift_right_logical3A_104 = vector.broadcast %shift_right_logical3A_103 : i32 to vector<16xi32>
      %shift_right_logical3A_105 = arith.shrui %get3A_98, %shift_right_logical3A_104 : vector<16xi32>
      %add3A_106 = arith.addi %add3A_92, %shift_right_logical3A_105 : vector<16xi32>
      %mul3A_107 = arith.constant 16 : i32
      %mul3A_108 = arith.muli %scan3A_80, %mul3A_107 : i32
      %add3A_109 = arith.constant 2048 : i32
      %add3A_110 = arith.addi %add3A_109, %mul3A_108 : i32
      %get3A_111 = arith.index_cast %add3A_110 : i32 to index
      %get3A_112 = tpu.vector_load %arg5[%get3A_111] {strides = array<i32>} : memref<16384xi32, #tpu.memory_space<vmem>>, vector<16xi32>,
      %and3A_113 = arith.constant 32767 : i32
      %and3A_114 = vector.broadcast %and3A_113 : i32 to vector<16xi32>
      %and3A_115 = arith.andi %get3A_112, %and3A_114 : vector<16xi32>
      %add3A_116 = arith.addi %add3A_102, %and3A_115 : vector<16xi32>
      %shift_right_logical3A_117 = arith.constant 15 : i32
      %shift_right_logical3A_118 = vector.broadcast %shift_right_logical3A_117 : i32 to vector<16xi32>
      %shift_right_logical3A_119 = arith.shrui %get3A_112, %shift_right_logical3A_118 : vector<16xi32>
      %add3A_120 = arith.addi %add3A_106, %shift_right_logical3A_119 : vector<16xi32>
      %mul3A_121 = arith.constant 16 : i32
      %mul3A_122 = arith.muli %scan3A_80, %mul3A_121 : i32
      %add3A_123 = arith.constant 3072 : i32
      %add3A_124 = arith.addi %add3A_123, %mul3A_122 : i32
      %get3A_125 = arith.index_cast %add3A_124 : i32 to index
      %get3A_126 = tpu.vector_load %arg5[%get3A_125] {strides = array<i32>} : memref<16384xi32, #tpu.memory_space<vmem>>, vector<16xi32>,
      %and3A_127 = arith.constant 32767 : i32
      %and3A_128 = vector.broadcast %and3A_127 : i32 to vector<16xi32>
      %and3A_129 = arith.andi %get3A_126, %and3A_128 : vector<16xi32>
      %add3A_130 = arith.addi %add3A_116, %and3A_129 : vector<16xi32>
      %shift_right_logical3A_131 = arith.constant 15 : i32
      %shift_right_logical3A_132 = vector.broadcast %shift_right_logical3A_131 : i32 to vector<16xi32>
      %shift_right_logical3A_133 = arith.shrui %get3A_126, %shift_right_logical3A_132 : vector<16xi32>
      %add3A_134 = arith.addi %add3A_120, %shift_right_logical3A_133 : vector<16xi32>
      %mul3A_135 = arith.constant 16 : i32
      %mul3A_136 = arith.muli %scan3A_80, %mul3A_135 : i32
      %add3A_137 = arith.constant 4096 : i32
      %add3A_138 = arith.addi %add3A_137, %mul3A_136 : i32
      %get3A_139 = arith.index_cast %add3A_138 : i32 to index
      %get3A_140 = tpu.vector_load %arg5[%get3A_139] {strides = array<i32>} : memref<16384xi32, #tpu.memory_space<vmem>>, vector<16xi32>,
      %and3A_141 = arith.constant 32767 : i32
      %and3A_142 = vector.broadcast %and3A_141 : i32 to vector<16xi32>
      %and3A_143 = arith.andi %get3A_140, %and3A_142 : vector<16xi32>
      %add3A_144 = arith.addi %add3A_130, %and3A_143 : vector<16xi32>
      %shift_right_logical3A_145 = arith.constant 15 : i32
      %shift_right_logical3A_146 = vector.broadcast %shift_right_logical3A_145 : i32 to vector<16xi32>
      %shift_right_logical3A_147 = arith.shrui %get3A_140, %shift_right_logical3A_146 : vector<16xi32>
      %add3A_148 = arith.addi %add3A_134, %shift_right_logical3A_147 : vector<16xi32>
      %mul3A_149 = arith.constant 16 : i32
      %mul3A_150 = arith.muli %scan3A_80, %mul3A_149 : i32
      %add3A_151 = arith.constant 5120 : i32
      %add3A_152 = arith.addi %add3A_151, %mul3A_150 : i32
      %get3A_153 = arith.index_cast %add3A_152 : i32 to index
      %get3A_154 = tpu.vector_load %arg5[%get3A_153] {strides = array<i32>} : memref<16384xi32, #tpu.memory_space<vmem>>, vector<16xi32>,
      %and3A_155 = arith.constant 32767 : i32
      %and3A_156 = vector.broadcast %and3A_155 : i32 to vector<16xi32>
      %and3A_157 = arith.andi %get3A_154, %and3A_156 : vector<16xi32>
      %add3A_158 = arith.addi %add3A_144, %and3A_157 : vector<16xi32>
      %shift_right_logical3A_159 = arith.constant 15 : i32
      %shift_right_logical3A_160 = vector.broadcast %shift_right_logical3A_159 : i32 to vector<16xi32>
      %shift_right_logical3A_161 = arith.shrui %get3A_154, %shift_right_logical3A_160 : vector<16xi32>
      %add3A_162 = arith.addi %add3A_148, %shift_right_logical3A_161 : vector<16xi32>
      %mul3A_163 = arith.constant 16 : i32
      %mul3A_164 = arith.muli %scan3A_80, %mul3A_163 : i32
      %add3A_165 = arith.constant 6144 : i32
      %add3A_166 = arith.addi %add3A_165, %mul3A_164 : i32
      %get3A_167 = arith.index_cast %add3A_166 : i32 to index
      %get3A_168 = tpu.vector_load %arg5[%get3A_167] {strides = array<i32>} : memref<16384xi32, #tpu.memory_space<vmem>>, vector<16xi32>,
      %and3A_169 = arith.constant 32767 : i32
      %and3A_170 = vector.broadcast %and3A_169 : i32 to vector<16xi32>
      %and3A_171 = arith.andi %get3A_168, %and3A_170 : vector<16xi32>
      %add3A_172 = arith.addi %add3A_158, %and3A_171 : vector<16xi32>
      %shift_right_logical3A_173 = arith.constant 15 : i32
      %shift_right_logical3A_174 = vector.broadcast %shift_right_logical3A_173 : i32 to vector<16xi32>
      %shift_right_logical3A_175 = arith.shrui %get3A_168, %shift_right_logical3A_174 : vector<16xi32>
      %add3A_176 = arith.addi %add3A_162, %shift_right_logical3A_175 : vector<16xi32>
      %mul3A_177 = arith.constant 16 : i32
      %mul3A_178 = arith.muli %scan3A_80, %mul3A_177 : i32
      %add3A_179 = arith.constant 7168 : i32
      %add3A_180 = arith.addi %add3A_179, %mul3A_178 : i32
      %get3A_181 = arith.index_cast %add3A_180 : i32 to index
      %get3A_182 = tpu.vector_load %arg5[%get3A_181] {strides = array<i32>} : memref<16384xi32, #tpu.memory_space<vmem>>, vector<16xi32>,
      %and3A_183 = arith.constant 32767 : i32
      %and3A_184 = vector.broadcast %and3A_183 : i32 to vector<16xi32>
      %and3A_185 = arith.andi %get3A_182, %and3A_184 : vector<16xi32>
      %add3A_186 = arith.addi %add3A_172, %and3A_185 : vector<16xi32>
      %shift_right_logical3A_187 = arith.constant 15 : i32
      %shift_right_logical3A_188 = vector.broadcast %shift_right_logical3A_187 : i32 to vector<16xi32>
      %shift_right_logical3A_189 = arith.shrui %get3A_182, %shift_right_logical3A_188 : vector<16xi32>
      %add3A_190 = arith.addi %add3A_176, %shift_right_logical3A_189 : vector<16xi32>
      %mul3A_191 = arith.constant 16 : i32
      %mul3A_192 = arith.muli %scan3A_80, %mul3A_191 : i32
      %add3A_193 = arith.constant 8192 : i32
      %add3A_194 = arith.addi %add3A_193, %mul3A_192 : i32
      %get3A_195 = arith.index_cast %add3A_194 : i32 to index
      %get3A_196 = tpu.vector_load %arg5[%get3A_195] {strides = array<i32>} : memref<16384xi32, #tpu.memory_space<vmem>>, vector<16xi32>,
      %and3A_197 = arith.constant 32767 : i32
      %and3A_198 = vector.broadcast %and3A_197 : i32 to vector<16xi32>
      %and3A_199 = arith.andi %get3A_196, %and3A_198 : vector<16xi32>
      %add3A_200 = arith.addi %add3A_186, %and3A_199 : vector<16xi32>
      %shift_right_logical3A_201 = arith.constant 15 : i32
      %shift_right_logical3A_202 = vector.broadcast %shift_right_logical3A_201 : i32 to vector<16xi32>
      %shift_right_logical3A_203 = arith.shrui %get3A_196, %shift_right_logical3A_202 : vector<16xi32>
      %add3A_204 = arith.addi %add3A_190, %shift_right_logical3A_203 : vector<16xi32>
      %mul3A_205 = arith.constant 16 : i32
      %mul3A_206 = arith.muli %scan3A_80, %mul3A_205 : i32
      %add3A_207 = arith.constant 9216 : i32
      %add3A_208 = arith.addi %add3A_207, %mul3A_206 : i32
      %get3A_209 = arith.index_cast %add3A_208 : i32 to index
      %get3A_210 = tpu.vector_load %arg5[%get3A_209] {strides = array<i32>} : memref<16384xi32, #tpu.memory_space<vmem>>, vector<16xi32>,
      %and3A_211 = arith.constant 32767 : i32
      %and3A_212 = vector.broadcast %and3A_211 : i32 to vector<16xi32>
      %and3A_213 = arith.andi %get3A_210, %and3A_212 : vector<16xi32>
      %add3A_214 = arith.addi %add3A_200, %and3A_213 : vector<16xi32>
      %shift_right_logical3A_215 = arith.constant 15 : i32
      %shift_right_logical3A_216 = vector.broadcast %shift_right_logical3A_215 : i32 to vector<16xi32>
      %shift_right_logical3A_217 = arith.shrui %get3A_210, %shift_right_logical3A_216 : vector<16xi32>
      %add3A_218 = arith.addi %add3A_204, %shift_right_logical3A_217 : vector<16xi32>
      %mul3A_219 = arith.constant 16 : i32
      %mul3A_220 = arith.muli %scan3A_80, %mul3A_219 : i32
      %add3A_221 = arith.constant 10240 : i32
      %add3A_222 = arith.addi %add3A_221, %mul3A_220 : i32
      %get3A_223 = arith.index_cast %add3A_222 : i32 to index
      %get3A_224 = tpu.vector_load %arg5[%get3A_223] {strides = array<i32>} : memref<16384xi32, #tpu.memory_space<vmem>>, vector<16xi32>,
      %and3A_225 = arith.constant 32767 : i32
      %and3A_226 = vector.broadcast %and3A_225 : i32 to vector<16xi32>
      %and3A_227 = arith.andi %get3A_224, %and3A_226 : vector<16xi32>
      %add3A_228 = arith.addi %add3A_214, %and3A_227 : vector<16xi32>
      %shift_right_logical3A_229 = arith.constant 15 : i32
      %shift_right_logical3A_230 = vector.broadcast %shift_right_logical3A_229 : i32 to vector<16xi32>
      %shift_right_logical3A_231 = arith.shrui %get3A_224, %shift_right_logical3A_230 : vector<16xi32>
      %add3A_232 = arith.addi %add3A_218, %shift_right_logical3A_231 : vector<16xi32>
      %mul3A_233 = arith.constant 16 : i32
      %mul3A_234 = arith.muli %scan3A_80, %mul3A_233 : i32
      %add3A_235 = arith.constant 11264 : i32
      %add3A_236 = arith.addi %add3A_235, %mul3A_234 : i32
      %get3A_237 = arith.index_cast %add3A_236 : i32 to index
      %get3A_238 = tpu.vector_load %arg5[%get3A_237] {strides = array<i32>} : memref<16384xi32, #tpu.memory_space<vmem>>, vector<16xi32>,
      %and3A_239 = arith.constant 32767 : i32
      %and3A_240 = vector.broadcast %and3A_239 : i32 to vector<16xi32>
      %and3A_241 = arith.andi %get3A_238, %and3A_240 : vector<16xi32>
      %add3A_242 = arith.addi %add3A_228, %and3A_241 : vector<16xi32>
      %shift_right_logical3A_243 = arith.constant 15 : i32
      %shift_right_logical3A_244 = vector.broadcast %shift_right_logical3A_243 : i32 to vector<16xi32>
      %shift_right_logical3A_245 = arith.shrui %get3A_238, %shift_right_logical3A_244 : vector<16xi32>
      %add3A_246 = arith.addi %add3A_232, %shift_right_logical3A_245 : vector<16xi32>
      %mul3A_247 = arith.constant 16 : i32
      %mul3A_248 = arith.muli %scan3A_80, %mul3A_247 : i32
      %add3A_249 = arith.constant 12288 : i32
      %add3A_250 = arith.addi %add3A_249, %mul3A_248 : i32
      %get3A_251 = arith.index_cast %add3A_250 : i32 to index
      %get3A_252 = tpu.vector_load %arg5[%get3A_251] {strides = array<i32>} : memref<16384xi32, #tpu.memory_space<vmem>>, vector<16xi32>,
      %and3A_253 = arith.constant 32767 : i32
      %and3A_254 = vector.broadcast %and3A_253 : i32 to vector<16xi32>
      %and3A_255 = arith.andi %get3A_252, %and3A_254 : vector<16xi32>
      %add3A_256 = arith.addi %add3A_242, %and3A_255 : vector<16xi32>
      %shift_right_logical3A_257 = arith.constant 15 : i32
      %shift_right_logical3A_258 = vector.broadcast %shift_right_logical3A_257 : i32 to vector<16xi32>
      %shift_right_logical3A_259 = arith.shrui %get3A_252, %shift_right_logical3A_258 : vector<16xi32>
      %add3A_260 = arith.addi %add3A_246, %shift_right_logical3A_259 : vector<16xi32>
      %mul3A_261 = arith.constant 16 : i32
      %mul3A_262 = arith.muli %scan3A_80, %mul3A_261 : i32
      %add3A_263 = arith.constant 13312 : i32
      %add3A_264 = arith.addi %add3A_263, %mul3A_262 : i32
      %get3A_265 = arith.index_cast %add3A_264 : i32 to index
      %get3A_266 = tpu.vector_load %arg5[%get3A_265] {strides = array<i32>} : memref<16384xi32, #tpu.memory_space<vmem>>, vector<16xi32>,
      %and3A_267 = arith.constant 32767 : i32
      %and3A_268 = vector.broadcast %and3A_267 : i32 to vector<16xi32>
      %and3A_269 = arith.andi %get3A_266, %and3A_268 : vector<16xi32>
      %add3A_270 = arith.addi %add3A_256, %and3A_269 : vector<16xi32>
      %shift_right_logical3A_271 = arith.constant 15 : i32
      %shift_right_logical3A_272 = vector.broadcast %shift_right_logical3A_271 : i32 to vector<16xi32>
      %shift_right_logical3A_273 = arith.shrui %get3A_266, %shift_right_logical3A_272 : vector<16xi32>
      %add3A_274 = arith.addi %add3A_260, %shift_right_logical3A_273 : vector<16xi32>
      %mul3A_275 = arith.constant 16 : i32
      %mul3A_276 = arith.muli %scan3A_80, %mul3A_275 : i32
      %add3A_277 = arith.constant 14336 : i32
      %add3A_278 = arith.addi %add3A_277, %mul3A_276 : i32
      %get3A_279 = arith.index_cast %add3A_278 : i32 to index
      %get3A_280 = tpu.vector_load %arg5[%get3A_279] {strides = array<i32>} : memref<16384xi32, #tpu.memory_space<vmem>>, vector<16xi32>,
      %and3A_281 = arith.constant 32767 : i32
      %and3A_282 = vector.broadcast %and3A_281 : i32 to vector<16xi32>
      %and3A_283 = arith.andi %get3A_280, %and3A_282 : vector<16xi32>
      %add3A_284 = arith.addi %add3A_270, %and3A_283 : vector<16xi32>
      %shift_right_logical3A_285 = arith.constant 15 : i32
      %shift_right_logical3A_286 = vector.broadcast %shift_right_logical3A_285 : i32 to vector<16xi32>
      %shift_right_logical3A_287 = arith.shrui %get3A_280, %shift_right_logical3A_286 : vector<16xi32>
      %add3A_288 = arith.addi %add3A_274, %shift_right_logical3A_287 : vector<16xi32>
      %mul3A_289 = arith.constant 16 : i32
      %mul3A_290 = arith.muli %scan3A_80, %mul3A_289 : i32
      %add3A_291 = arith.constant 15360 : i32
      %add3A_292 = arith.addi %add3A_291, %mul3A_290 : i32
      %get3A_293 = arith.index_cast %add3A_292 : i32 to index
      %get3A_294 = tpu.vector_load %arg5[%get3A_293] {strides = array<i32>} : memref<16384xi32, #tpu.memory_space<vmem>>, vector<16xi32>,
      %and3A_295 = arith.constant 32767 : i32
      %and3A_296 = vector.broadcast %and3A_295 : i32 to vector<16xi32>
      %and3A_297 = arith.andi %get3A_294, %and3A_296 : vector<16xi32>
      %add3A_298 = arith.addi %add3A_284, %and3A_297 : vector<16xi32>
      %shift_right_logical3A_299 = arith.constant 15 : i32
      %shift_right_logical3A_300 = vector.broadcast %shift_right_logical3A_299 : i32 to vector<16xi32>
      %shift_right_logical3A_301 = arith.shrui %get3A_294, %shift_right_logical3A_300 : vector<16xi32>
      %add3A_302 = arith.addi %add3A_288, %shift_right_logical3A_301 : vector<16xi32>
      %convert_element_type3A_303 = arith.sitofp %add3A_302 : vector<16xi32> to vector<16xf32>
      %convert_element_type3A_304 = arith.sitofp %add3A_298 : vector<16xi32> to vector<16xf32>
      %mul3A_305 = arith.constant 16 : i32
      %mul3A_306 = arith.muli %scan3A_80, %mul3A_305 : i32
      %swap3A_307 = arith.index_cast %mul3A_306 : i32 to index
      %swap3A_308 = tpu.vector_load %arg10[%swap3A_307] {strides = array<i32>} : memref<1024xf32, #tpu.memory_space<vmem>>, vector<16xf32>,
      tpu.vector_store %arg10[%swap3A_307], %convert_element_type3A_304 {strides = array<i32>} : memref<1024xf32, #tpu.memory_space<vmem>>, vector<16xf32>,
      %mul3A_309 = arith.constant 16 : i32
      %mul3A_310 = arith.muli %scan3A_80, %mul3A_309 : i32
      %swap3A_311 = arith.index_cast %mul3A_310 : i32 to index
      %swap3A_312 = tpu.vector_load %arg11[%swap3A_311] {strides = array<i32>} : memref<1024xf32, #tpu.memory_space<vmem>>, vector<16xf32>,
      tpu.vector_store %arg11[%swap3A_311], %convert_element_type3A_303 {strides = array<i32>} : memref<1024xf32, #tpu.memory_space<vmem>>, vector<16xf32>,
      %add3A_313 = arith.addf %scan3A_81, %convert_element_type3A_303 : vector<16xf32>
      scf.yield %add3A_313 : vector<16xf32>
    }
    %scan3A_57 = arith.constant 64 : i32
    %reduce_sum3A = arith.constant true
    %reduce_sum3A_58 = vector.broadcast %reduce_sum3A : i1 to vector<16xi1>
    %reduce_sum3A_59 = tpu.scan <sum>, %scan3A_56 masked %reduce_sum3A_58 : vector<16xf32>, vector<16xi1> -> vector<16xf32>
    %reduce_sum3A_60 = vector.extract %reduce_sum3A_59[15] : f32 from vector<16xf32>
    %broadcast_in_dim3A_61 = arith.constant 0.000000e+00 : f32
    %broadcast_in_dim3A_62 = vector.broadcast %broadcast_in_dim3A_61 : f32 to vector<16xf32>
    %scan3A_63 = arith.constant 0.000000e+00 : f32
    %scan3A_64 = arith.constant 0.000000e+00 : f32
    %scan3A_65 = arith.constant 0 : i32
    %scan3A_66 = arith.constant 64 : i32
    %scan3A_67 = arith.addi %scan3A_65, %scan3A_66 : i32
    %scan3A_68 = arith.constant 1 : i32
    %scan3A_69:3 = scf.for %scan3A_80 = %scan3A_65 to %scan3A_67 step %scan3A_68 iter_args(%scan3A_81 = %scan3A_63, %scan3A_82 = %scan3A_64, %scan3A_83 = %broadcast_in_dim3A_62) -> (f32, f32, vector<16xf32>)  : i32 {
      %mul3A_84 = arith.constant 16 : i32
      %mul3A_85 = arith.muli %scan3A_80, %mul3A_84 : i32
      %get3A = arith.index_cast %mul3A_85 : i32 to index
      %get3A_86 = tpu.vector_load %arg10[%get3A] {strides = array<i32>} : memref<1024xf32, #tpu.memory_space<vmem>>, vector<16xf32>,
      %mul3A_87 = arith.constant 16 : i32
      %mul3A_88 = arith.muli %scan3A_80, %mul3A_87 : i32
      %get3A_89 = arith.index_cast %mul3A_88 : i32 to index
      %get3A_90 = tpu.vector_load %arg11[%get3A_89] {strides = array<i32>} : memref<1024xf32, #tpu.memory_space<vmem>>, vector<16xf32>,
      %broadcast_in_dim3A_91 = arith.constant true
      %broadcast_in_dim3A_92 = vector.broadcast %broadcast_in_dim3A_91 : i1 to vector<16xi1>
      %masked_cumsum3A = tpu.scan <sum>, %get3A_86 masked %broadcast_in_dim3A_92 : vector<16xf32>, vector<16xi1> -> vector<16xf32>
      %add3A_93 = vector.broadcast %scan3A_81 : f32 to vector<16xf32>
      %add3A_94 = arith.addf %add3A_93, %masked_cumsum3A : vector<16xf32>
      %broadcast_in_dim3A_95 = arith.constant true
      %broadcast_in_dim3A_96 = vector.broadcast %broadcast_in_dim3A_95 : i1 to vector<16xi1>
      %masked_cumsum3A_97 = tpu.scan <sum>, %get3A_90 masked %broadcast_in_dim3A_96 : vector<16xf32>, vector<16xi1> -> vector<16xf32>
      %add3A_98 = vector.broadcast %scan3A_82 : f32 to vector<16xf32>
      %add3A_99 = arith.addf %add3A_98, %masked_cumsum3A_97 : vector<16xf32>
      %add3A_100 = vector.broadcast %reduce_sum3A_60 : f32 to vector<16xf32>
      %add3A_101 = arith.addf %add3A_100, %add3A_94 : vector<16xf32>
      %sub3A = arith.subf %add3A_101, %add3A_99 : vector<16xf32>
      %ge3A = arith.constant 5.000000e-01 : f32
      %ge3A_102 = vector.broadcast %ge3A : f32 to vector<16xf32>
      %ge3A_103 = arith.cmpf oge, %add3A_94, %ge3A_102 : vector<16xf32>
      %sub3A_104 = vector.broadcast %reduce_sum3A_60 : f32 to vector<16xf32>
      %sub3A_105 = arith.subf %sub3A_104, %add3A_99 : vector<16xf32>
      %max3A = arith.constant 5.000000e-01 : f32
      %max3A_106 = vector.broadcast %max3A : f32 to vector<16xf32>
      %max3A_107 = arith.maximumf %sub3A, %max3A_106 : vector<16xf32>
      %div3A = arith.divf %sub3A_105, %max3A_107 : vector<16xf32>
      %sub3A_108 = arith.constant 1.000000e+00 : f32
      %sub3A_109 = vector.broadcast %sub3A_108 : f32 to vector<16xf32>
      %sub3A_110 = arith.subf %sub3A_109, %div3A : vector<16xf32>
      %jit3A = arith.constant 0.000000e+00 : f32
      %broadcast_in_dim3A_111 = vector.broadcast %jit3A : f32 to vector<16xf32>
      %select_n3A = arith.select %ge3A_103, %sub3A_110, %broadcast_in_dim3A_111 : vector<16xi1>, vector<16xf32>
      %convert_element_type3A_112 = arith.sitofp %scan3A_80 : i32 to f32
      %mul3A_113 = arith.constant 1.600000e+01 : f32
      %mul3A_114 = arith.mulf %convert_element_type3A_112, %mul3A_113 : f32
      %add3A_115 = vector.broadcast %mul3A_114 : f32 to vector<16xf32>
      %add3A_116 = arith.addf %add3A_115, %convert_element_type3A_6 : vector<16xf32>
      %add3A_117 = arith.constant 5.000000e-01 : f32
      %add3A_118 = vector.broadcast %add3A_117 : f32 to vector<16xf32>
      %add3A_119 = arith.addf %add3A_116, %add3A_118 : vector<16xf32>
      %mul3A_120 = arith.constant 1.562500e-02 : f32
      %mul3A_121 = vector.broadcast %mul3A_120 : f32 to vector<16xf32>
      %mul3A_122 = arith.mulf %add3A_119, %mul3A_121 : vector<16xf32>
      %sub3A_123 = arith.constant 9.000000e+00 : f32
      %sub3A_124 = vector.broadcast %sub3A_123 : f32 to vector<16xf32>
      %sub3A_125 = arith.subf %sub3A_124, %mul3A_122 : vector<16xf32>
      %max3A_126 = arith.constant 0.000000e+00 : f32
      %max3A_127 = vector.broadcast %max3A_126 : f32 to vector<16xf32>
      %max3A_128 = arith.maximumf %sub3A_125, %max3A_127 : vector<16xf32>
      %sub3A_129 = arith.constant 1.562500e-02 : f32
      %sub3A_130 = vector.broadcast %sub3A_129 : f32 to vector<16xf32>
      %sub3A_131 = arith.subf %sub3A_125, %sub3A_130 : vector<16xf32>
      %max3A_132 = arith.constant 0.000000e+00 : f32
      %max3A_133 = vector.broadcast %max3A_132 : f32 to vector<16xf32>
      %max3A_134 = arith.maximumf %sub3A_131, %max3A_133 : vector<16xf32>
      %sub3A_135 = arith.subf %max3A_128, %max3A_134 : vector<16xf32>
      %reduce_max3A = arith.constant true
      %reduce_max3A_136 = vector.broadcast %reduce_max3A : i1 to vector<16xi1>
      %reduce_max3A_137 = tpu.scan <max>, %add3A_94 masked %reduce_max3A_136 : vector<16xf32>, vector<16xi1> -> vector<16xf32>
      %reduce_max3A_138 = vector.extract %reduce_max3A_137[15] : f32 from vector<16xf32>
      %reduce_max3A_139 = arith.constant true
      %reduce_max3A_140 = vector.broadcast %reduce_max3A_139 : i1 to vector<16xi1>
      %reduce_max3A_141 = tpu.scan <max>, %add3A_99 masked %reduce_max3A_140 : vector<16xf32>, vector<16xi1> -> vector<16xf32>
      %reduce_max3A_142 = vector.extract %reduce_max3A_141[15] : f32 from vector<16xf32>
      %mul3A_143 = arith.mulf %select_n3A, %sub3A_135 : vector<16xf32>
      %add3A_144 = arith.addf %scan3A_83, %mul3A_143 : vector<16xf32>
      scf.yield %reduce_max3A_138, %reduce_max3A_142, %add3A_144 : f32, f32, vector<16xf32>
    }
    %scan3A_70 = arith.constant 64 : i32
    %reduce_sum3A_71 = arith.constant true
    %reduce_sum3A_72 = vector.broadcast %reduce_sum3A_71 : i1 to vector<16xi1>
    %reduce_sum3A_73 = tpu.scan <sum>, %scan3A_69#2 masked %reduce_sum3A_72 : vector<16xf32>, vector<16xi1> -> vector<16xf32>
    %reduce_sum3A_74 = vector.extract %reduce_sum3A_73[15] : f32 from vector<16xf32>
    %broadcast_in_dim3A_75 = arith.constant 0.000000e+00 : f32
    %broadcast_in_dim3A_76 = vector.broadcast %broadcast_in_dim3A_75 : f32 to vector<16xf32>
    %add3A_77 = vector.broadcast %reduce_sum3A_74 : f32 to vector<16xf32>
    %add3A_78 = arith.addf %broadcast_in_dim3A_76, %add3A_77 : vector<16xf32>
    %swap3A = arith.constant 0 : index
    %swap3A_79 = tpu.vector_load %arg12[%swap3A] {strides = array<i32>} : memref<16xf32, #tpu.memory_space<vmem>>, vector<16xf32>,
    tpu.vector_store %arg12[%swap3A], %add3A_78 {strides = array<i32>} : memref<16xf32, #tpu.memory_space<vmem>>, vector<16xf32>,
    "tpu.region"() ({
      %run_scoped3A = tpu.sem_alloc : memref<!tpu.dma_semaphore, #tpu.memory_space<semaphore_mem>>
      %dma_start3A_80 = arith.constant 0 : i32
      %dma_start3A_81 = tpu.memref_slice %arg4[%add3A, %dma_start3A_80] : memref<32x16xf32, #tpu.memory_space<hbm>> -> memref<1x16xf32, #tpu.memory_space<hbm>>
      %dma_start3A_82 = tpu.memref_squeeze %dma_start3A_81 : memref<1x16xf32, #tpu.memory_space<hbm>> -> memref<16xf32, #tpu.memory_space<hbm>>
      %dma_start3A_83 = arith.constant 0 : i32
      %dma_start3A_84 = tpu.memref_slice %arg4[%add3A, %dma_start3A_83] : memref<32x16xf32, #tpu.memory_space<hbm>> -> memref<1x16xf32, #tpu.memory_space<hbm>>
      %dma_start3A_85 = tpu.memref_squeeze %dma_start3A_84 : memref<1x16xf32, #tpu.memory_space<hbm>> -> memref<16xf32, #tpu.memory_space<hbm>>
      tpu.enqueue_dma source(%arg12 : memref<16xf32, #tpu.memory_space<vmem>>) target(%dma_start3A_85 : memref<16xf32, #tpu.memory_space<hbm>>) target_semaphore(%run_scoped3A : memref<!tpu.dma_semaphore, #tpu.memory_space<semaphore_mem>>)
      %dma_wait3A_86 = arith.constant 0 : i32
      %dma_wait3A_87 = tpu.memref_slice %arg4[%add3A, %dma_wait3A_86] : memref<32x16xf32, #tpu.memory_space<hbm>> -> memref<1x16xf32, #tpu.memory_space<hbm>>
      %dma_wait3A_88 = tpu.memref_squeeze %dma_wait3A_87 : memref<1x16xf32, #tpu.memory_space<hbm>> -> memref<16xf32, #tpu.memory_space<hbm>>
      %dma_wait3A_89 = arith.constant 0 : i32
      %dma_wait3A_90 = tpu.memref_slice %arg4[%add3A, %dma_wait3A_89] : memref<32x16xf32, #tpu.memory_space<hbm>> -> memref<1x16xf32, #tpu.memory_space<hbm>>
      %dma_wait3A_91 = tpu.memref_squeeze %dma_wait3A_90 : memref<1x16xf32, #tpu.memory_space<hbm>> -> memref<16xf32, #tpu.memory_space<hbm>>
      tpu.wait_dma2 semaphore(%run_scoped3A : memref<!tpu.dma_semaphore, #tpu.memory_space<semaphore_mem>>) src(%arg12 : memref<16xf32, #tpu.memory_space<vmem>>) dst(%dma_wait3A_91 : memref<16xf32, #tpu.memory_space<hbm>>)
      tpu.yield
    }) : () -> ()
    return
  }
}

</mosaic_0001>

<sc_bundles>
// kernel: kernel.3.cloned.1.call-start
scs
__scs_entry_jumppad:
0x0: {  	(pc) =	sbr.rel $0x88, $3  }
0x1: {  	(tag) =	ssettag $0x0;
	lr =	simm.s32 $0x1  }
0x2: {  	[smem:$0x3F9F] =	sst lr;
	_ =	strace $0xD0000000  }
0x3: {  	_ = 	snop  }
0x4: {  	_ = 	snop  }
0x5: {  	_ = 	snop  }
0x6: {  	_ = 	snop  }
0x7: {  	_ = 	snop  }
__scs_overlays_trampoline_lowered:
0x8: {  	[smem:$0x3FAE] =	sst s0  }
0x9: {  	[smem:$0x3FAF] =	sst s1  }
0xa: {  	[smem:$0x3FB0] =	sst s2  }
0xb: {  	[smem:$0x3FB1] =	sst s3  }
0xc: {  	[smem:$0x3FB2] =	sst s4  }
0xd: {  	[smem:$0x3FB3] =	sst s5  }
0xe: {  	[smem:$0x3FB4] =	sst s6  }
0xf: {  	[smem:$0x3FB5] =	sst s7  }
0x10: {  	[smem:$0x3FB6] =	sst s8  }
0x11: {  	[smem:$0x3FB7] =	sst s9;
	s0 =	simm.s32 @!p0 $0x0  }
0x12: {  	s1 =	sld [smem:$0x3F9D];
	s0 =	simm.s32 @p0 $0x1  }
0x13: {  	[smem:$0x3FB8] =	sst s0;
	s0 =	simm.s32 @!p1 $0x0  }
0x14: {  	s2 =	sld [smem:$0x3F9C];
	s0 =	simm.s32 @p1 $0x1  }
0x15: {  	[smem:$0x3FB9] =	sst s0;
	s0 =	simm.s32 @!p2 $0x0  }
0x16: {  	s3 =	sld [smem:$0x3FDB];
	s0 =	simm.s32 @p2 $0x1  }
0x17: {  	s4 =	simm.s32 $0x1BF5;
	[smem:$0x3FBB] =	sst s0  }
0x18: {  	s0 =	sld [smem:$0x3F9E];
	_ =	swait.ge [sflag:s4], $0x0  }
0x19: {  	s7 =	sld [smem:$0x3F9F]  }
0x1a: {  	s8 =	sadd.s32 $0xFFFFE003, lr  }
0x1b: {  	s9 =	sadd.s32 $0xFFFFFEF7, lr;
	s5 =	simm.s32 $0xFFFFFFFF;
	p2 =	slt.u32 s8, $0xFFFFF086  }
0x1c: {  	p1 =	slt.u32 s9, $0xF7A;
	s5 =	simm.s32 @!p2 $0x0  }
0x1d: {  	s5 =	simm.s32 @p1 $0x1;
	p0 =	seq.s32 s7, s2  }
0x1e: {  	s7 =	smul.u32 @!p0 $0xF7A, s2;
	p2 =	seq.s32 @!p0 s5, $0x0  }
0x1f: {  	s9 =	smul.u32 $0xF7A, s1;
	s8 =	simm.s32 @!p0 $0x1BF5;
	p2 =	por !p2, p0  }
0x20: {  	[sflag:s8] =	ssyncset.s32 @!p0 $0xFFFFF086;
	s6 =	sadd.s32 @!p0 s3, s7;
	s7 =	simm.s32 @!p0 $0x108  }
0x21: {  	s3 =	sadd.s32 s3, s9;
	s6 =	sadd.s32 @!p0 $0x88, s6;
	s7 =	simm.s32 @p2 $0x1082  }
0x22: {  	[simem:s7], [sflag:s8] =	dma.local @!p0 [hbm:s6], $0xF7A  }
0x23: {  	s9 =	sor.u32 $0xD0000000, s2;
	s6 =	simm.s32 $0x108;
	_ =	swait.ge @!p0 [sflag:s8], $0x0  }
0x24: {  	s3 =	sadd.s32 $0x88, s3;
	s6 =	simm.s32 @!p1 $0x1082;
	[sflag:s4] =	ssyncset.s32 $0xFFFFF086  }
0x25: {  	[simem:s6], [sflag:s4] =	dma.local [hbm:s3], $0xF7A  }
0x26: {  	[smem:$0x3F9F] =	sst s1;
	(tag) =	ssettag s2;
	_ =	strace s9  }
0x27: {  	s1 =	sld [smem:$0x3FAF]  }
0x28: {  	s2 =	sld [smem:$0x3FB0]  }
0x29: {  	s4 =	sld [smem:$0x3FB2]  }
0x2a: {  	p0 =	seq.s32 s5, $0x0;
	s5 =	sld [smem:$0x3FB3]  }
0x2b: {  	s6 =	sld [smem:$0x3FB4]  }
0x2c: {  	s7 =	sld [smem:$0x3FB5]  }
0x2d: {  	s3 =	simm.s32 $0x108;
	s8 =	sld [smem:$0x3FB6]  }
0x2e: {  	s3 =	simm.s32 @!p0 $0x1082;
	s9 =	sld [smem:$0x3FB7]  }
0x2f: {  	lr =	sadd.s32 s0, s3;
	s0 =	sld [smem:$0x3FAE]  }
0x30: {  	s3 =	sld [smem:$0x3FB1]  }
0x31: {  	[smem:$0x3FBA] =	sst s10  }
0x32: {  	s10 =	sld [smem:$0x3FB8];
	_ =	sdelay $0x3  }
0x33: {  	p0 =	seq.s32 s10, $0x1;
	s10 =	sld [smem:$0x3FBA];
	_ =	sdelay $0x3  }
0x34: {  	[smem:$0x3FBA] =	sst s10  }
0x35: {  	s10 =	sld [smem:$0x3FB9];
	_ =	sdelay $0x3  }
0x36: {  	p1 =	seq.s32 s10, $0x1;
	s10 =	sld [smem:$0x3FBA];
	_ =	sdelay $0x3  }
0x37: {  	[smem:$0x3FBA] =	sst s10  }
0x38: {  	s10 =	sld [smem:$0x3FBB]  }
0x39: {  	_ = 	snop;
	(pc) =	sbr.ind lr, $3  }
0x3a: {  	_ = 	snop  }
0x3b: {  	_ = 	snop  }
0x3c: {  	p2 =	seq.s32 s10, $0x1;
	s10 =	sld [smem:$0x3FBA]  }
0x3d: {  	_ =	shalt  }
0x3e: {  	_ =	shalt  }
0x3f: {  	_ =	shalt  }
0x40: {  	_ =	shalt  }
0x41: {  	_ =	shalt  }
0x42: {  	_ =	shalt  }
0x43: {  	_ =	shalt  }
0x44: {  	_ =	shalt  }
0x45: {  	_ =	shalt  }
0x46: {  	_ =	shalt  }
0x47: {  	_ =	shalt  }
0x48: {  	_ =	shalt  }
0x49: {  	_ =	shalt  }
0x4a: {  	_ =	shalt  }
0x4b: {  	_ =	shalt  }
0x4c: {  	_ =	shalt  }
0x4d: {  	_ =	shalt  }
0x4e: {  	_ =	shalt  }
0x4f: {  	_ =	shalt  }
0x50: {  	_ =	shalt  }
0x51: {  	_ =	shalt  }
0x52: {  	_ =	shalt  }
0x53: {  	_ =	shalt  }
0x54: {  	_ =	shalt  }
0x55: {  	_ =	shalt  }
0x56: {  	_ =	shalt  }
0x57: {  	_ =	shalt  }
0x58: {  	_ =	shalt  }
0x59: {  	_ =	shalt  }
0x5a: {  	_ =	shalt  }
0x5b: {  	_ =	shalt  }
0x5c: {  	_ =	shalt  }
0x5d: {  	_ =	shalt  }
0x5e: {  	_ =	shalt  }
0x5f: {  	_ =	shalt  }
0x60: {  	_ =	shalt  }
0x61: {  	_ =	shalt  }
0x62: {  	_ =	shalt  }
0x63: {  	_ =	shalt  }
0x64: {  	_ =	shalt  }
0x65: {  	_ =	shalt  }
0x66: {  	_ =	shalt  }
0x67: {  	_ =	shalt  }
0x68: {  	_ =	shalt  }
0x69: {  	_ =	shalt  }
0x6a: {  	_ =	shalt  }
0x6b: {  	_ =	shalt  }
0x6c: {  	_ =	shalt  }
0x6d: {  	_ =	shalt  }
0x6e: {  	_ =	shalt  }
0x6f: {  	_ =	shalt  }
0x70: {  	_ =	shalt  }
0x71: {  	_ =	shalt  }
0x72: {  	_ =	shalt  }
0x73: {  	_ =	shalt  }
0x74: {  	_ =	shalt  }
0x75: {  	_ =	shalt  }
0x76: {  	_ =	shalt  }
0x77: {  	_ =	shalt  }
0x78: {  	_ =	shalt  }
0x79: {  	_ =	shalt  }
0x7a: {  	_ =	shalt  }
0x7b: {  	_ =	shalt  }
0x7c: {  	_ =	shalt  }
0x7d: {  	_ =	shalt  }
0x7e: {  	_ =	shalt  }
0x7f: {  	_ =	shalt  }
0x80: {  	_ =	shalt  }
0x81: {  	_ =	shalt  }
0x82: {  	_ =	shalt  }
0x83: {  	_ =	shalt  }
0x84: {  	_ =	shalt  }
0x85: {  	_ =	shalt  }
0x86: {  	_ =	shalt  }
0x87: {  	_ =	shalt  }
.Lfunc_end0:
.L_simem_size_0:
called_computation_lowered:
.L_overlay_start_0:
0x88: {  	s2 =	sld [smem:$0x3FD9]  }
0x89: {  	s3 =	sld [smem:$0x3FFE];
	_ =	sdelay $0x1  }
0x8a: {  	s1 =	srdreg.scid  }
0x8b: {  	s0 =	sand.u32 $0x1, s1  }
0x8c: {  	s17 =	sshll.u32 s0, $0xA;
	s2 =	sadd.s32 s3, s2  }
0x8d: {  	s2 =	sadd.s32 s2, s17  }
0x8e: {  	[smem:$0x3FC6] =	sst s2  }
0x8f: {  	_ = 	snop  }
0x90: {  	s2 =	sld [smem:$0x3FC9]  }
0x91: {  	s18 =	sld [smem:$0x3FC8];
	(tm) =	ssettm $0x1  }
0x92: {  	s4 =	sld [smem:$0x3FFB];
	_ =	sdelay $0x3  }
0x93: {  	_ =	strace s4  }
0x94: {  	s4 =	sld [smem:$0x3FFC];
	_ =	sdelay $0x3  }
0x95: {  	_ =	strace s4  }
0x96: {  	s4 =	sld [smem:$0x3FFD];
	_ =	sdelay $0x3  }
0x97: {  	_ =	strace s4  }
0x98: {  	_ =	strace $0x8FFFFFFF  }
0x99: {  	s19 =	sld [smem:$0x3FDB];
	_ =	sdelay $0x1  }
0x9a: {  	s5 =	simm.s32 $_scs_section_size  }
0x9b: {  	s6 =	simm.s32 $_size__tile_overlayer_lowered;
	s7 =	simm.s32 $_tile_overlayer_lowered  }
0x9c: {  	s22 =	simm.s32 $0x1BFF;
	s21 =	sshll.u32 s7, $0x1;
	s4 =	sadd.s32 s5, s19  }
0x9d: {  	s8 =	simm.s32 $0x0;
	s20 =	sshll.u32 s6, $0x1;
	s6 =	sadd.s32 s21, s4  }
0x9e: {  	[timem:s8], [sflag:s22] =	dma.local [hbm:s6], s20  }
0x9f: {  	_ =	swait.ge [sflag:s22], s20  }
0xa0: {  	s5 =	ssub.s32 $0x0, s20;
	[sflag:s22] =	ssyncset.done $0x0  }
0xa1: {  	[sflag:s22] =	ssyncadd.s32 s5;
	_ =	sdelay $0x1  }
0xa2: {  	s23 =	simm.s32 $0x1B8B  }
0xa3: {  	_ =	swait.ge [sflag:s23], $0x1  }
0xa4: {  	[sflag:s23] =	ssyncset.done $0x0  }
0xa5: {  	s25 =	simm.s32 $0x1B8E;
	s24 =	sld [smem:$0x3FFE];
	[sflag:s23] =	ssyncadd.s32 $0xFFFFFFFF  }
0xa6: {  	s26 =	simm.s32 $execute0_lowered;
	[smem:$0x3FD2] =	sst s25  }
0xa7: {  	s6 =	sshll.u32 s26, $0x1;
	_ =	strace $0x80000046;
	[dreg:$0x1] =	wrdreg $0xFFFFFFFF  }
0xa8: {  	s28 =	simm.s32 $_size_execute0_lowered;
	s4 =	sadd.s32 s4, s6;
	[dreg:$0x0] =	wrdreg $0x0  }
0xa9: {  	s6 =	sshll.u32 s28, $0x1;
	[dreg:$0x2] =	wrdreg s4  }
0xaa: {  	[dreg:$0x3] =	wrdreg s6  }
0xab: {  	[dreg:$0x4] =	wrdreg $0xC0  }
0xac: {  	_ =	task [dreg:s8], $0x5FFFF  }
0xad: {  	[dreg:$0x1] =	wrdreg $0xFFFFFFFF  }
0xae: {  	[dreg:$0x0] =	wrdreg $0x60  }
0xaf: {  	[dreg:$0x2] =	wrdreg s2  }
0xb0: {  	[dreg:$0x3] =	wrdreg s18  }
0xb1: {  	[dreg:$0x4] =	wrdreg s24  }
0xb2: {  	[dreg:$0x5] =	wrdreg $0x9  }
0xb3: {  	_ =	task.clear_ibuf [dreg:s8], $0x6FFFF;
	_ =	strace $0x90000046  }
0xb4: {  	s29 =	simm.s32 $0x9;
	_ =	strace $0x80000048  }
0xb5: {  	_ =	swait.ge [sflag:s29], $0x1  }
0xb6: {  	[sflag:s29] =	ssyncadd.s32 $0xFFFFFFFF  }
0xb7: {  	_ =	strace $0x90000048  }
0xb8: {  	_ =	sfence  }
0xb9: {  	s30 =	sld [smem:$0x0];
	_ =	sdelay $0x2  }
0xba: {  	s31 =	sshll.u32 s1, $0xD;
	s1 =	sshrl.u32 s1, $0x2  }
0xbb: {  	s3 =	sand.u32 $0x4000, s31;
	s1 =	sadd.s32 s1, s30  }
0xbc: {  	s0 =	sor.u32 s3, s0;
	s1 =	sshll.u32 s1, $0x11  }
0xbd: {  	s0 =	sor.u32 s1, s0  }
0xbe: {  	s0 =	sadd.s32 $0x8F2B, s0  }
0xbf: {  	[sflag:s0] =	ssyncadd.remote.s32 $0x1  }
0xc0: {  	_ =	sfence.sel $0xFFFF  }
0xc1: {  	[dreg:$0x0] =	wrdreg $0xFFFFFFFF;
	(pc) =	sbr.abs _section_cstart, $3  }
0xc2: {  	[dreg:$0x1] =	wrdreg $0xFFFFFFFF  }
0xc3: {  	_ =	task.clear_ibuf [dreg:s8], $0x2FFFF;
	_ =	strace $0x9FFFFFFF  }
0xc4: {  	(tm) =	ssettm $0x7FFFFFFF  }
0xc5: {  	_ =	shalt  }
tec
execute0_lowered:
.L_overlay_start_1:
0x0: {  	(tag) =	ssettag $0x1  }
0x1: {  	v0 =	vimm.f32 $1.587200000e+04;
	vm14 =	vcmask $0x300  }
0x2: {  	vm13 =	vcmask $0x704;
	vm12 =	vcmask $0xB08;
	vm11 =	vcmask $0xF0C  }
0x3: {  	vm10 =	vcmask $0x1310;
	vm9 =	vcmask $0x1714;
	vm8 =	vcmask $0x1B18  }
0x4: {  	vm7 =	vcmask $0x1F1C;
	vm6 =	vcmask $0x2320;
	vm5 =	vcmask $0x2724  }
0x5: {  	vm4 =	vcmask $0x2B28;
	vm3 =	vcmask $0x2F2C;
	vm2 =	vcmask $0x3330  }
0x6: {  	vm1 =	vcmask $0x3734;
	vm0 =	vcmask $0x3B38;
	v2 =	vimm.f32 $1.536000000e+04  }
0x7: {  	v3 =	vimm.f32 $1.638300000e+04;
	v4 =	vimm.f32 $1.500000000e+01;
	v0 =	vsel vm14, $0x44000000, v0  }
0x8: {  	v2 =	vsel vm14, $0x0, v2;
	v3 =	vsel vm14, $0x447FC000, v3;
	v4 =	vsel vm14, $0x0, v4  }
0x9: {  	v0 =	vsel vm13, $0x44C00000, v0;
	v2 =	vsel vm13, $0x44800000, v2;
	v3 =	vsel vm13, $0x44FFE000, v3  }
0xa: {  	v4 =	vsel vm13, $0x3F800000, v4;
	v0 =	vsel vm12, $0x45200000, v0;
	v2 =	vsel vm12, $0x45000000, v2  }
0xb: {  	v3 =	vsel vm12, $0x453FF000, v3;
	v4 =	vsel vm12, $0x40000000, v4;
	v0 =	vsel vm11, $0x45600000, v0  }
0xc: {  	v2 =	vsel vm11, $0x45400000, v2;
	v3 =	vsel vm11, $0x457FF000, v3;
	v4 =	vsel vm11, $0x40400000, v4  }
0xd: {  	v0 =	vsel vm10, $0x45900000, v0;
	v2 =	vsel vm10, $0x45800000, v2;
	v3 =	vsel vm10, $0x459FF800, v3  }
0xe: {  	s0 =	rddreg [dreg:$0x0];
	v4 =	vsel vm10, $0x40800000, v4;
	v0 =	vsel vm9, $0x45B00000, v0;
	v2 =	vsel vm9, $0x45A00000, v2  }
0xf: {  	s1 =	rddreg [dreg:$0x1];
	v3 =	vsel vm9, $0x45BFF800, v3;
	v4 =	vsel vm9, $0x40A00000, v4;
	v0 =	vsel vm8, $0x45D00000, v0  }
0x10: {  	s9 =	rddreg [dreg:$0x2];
	v2 =	vsel vm8, $0x45C00000, v2;
	v3 =	vsel vm8, $0x45DFF800, v3;
	v4 =	vsel vm8, $0x40C00000, v4  }
0x11: {  	s2 =	rddreg [dreg:$0x3];
	s5 =	srdreg.scid;
	v0 =	vsel vm7, $0x45F00000, v0;
	v2 =	vsel vm7, $0x45E00000, v2;
	v3 =	vsel vm7, $0x45FFF800, v3  }
0x12: {  	s4 =	simm.s32 $0x0;
	s3 =	stileid.u32;
	s12 =	simm.s32 $0x8000;
	v4 =	vsel vm7, $0x40E00000, v4;
	v0 =	vsel vm6, $0x46080000, v0;
	v2 =	vsel vm6, $0x46000000, v2  }
0x13: {  	s13 =	simm.s32 $0xC000;
	s14 =	simm.s32 $0x10000;
	s15 =	simm.s32 $0x1;
	v3 =	vsel vm6, $0x460FFC00, v3;
	v4 =	vsel vm6, $0x41000000, v4;
	v0 =	vsel vm5, $0x46180000, v0  }
0x14: {  	s16 =	simm.s32 $0x2;
	s17 =	simm.s32 $0x3;
	s18 =	simm.s32 $0x4;
	v2 =	vsel vm5, $0x46100000, v2;
	v3 =	vsel vm5, $0x461FFC00, v3;
	v4 =	vsel vm5, $0x41100000, v4  }
0x15: {  	s19 =	simm.s32 $0x14800;
	s20 =	simm.s32 $0x5;
	s21 =	simm.s32 $0x0;
	v0 =	vsel vm4, $0x46280000, v0;
	v2 =	vsel vm4, $0x46200000, v2;
	v3 =	vsel vm4, $0x462FFC00, v3  }
0x16: {  	s5 =	sand.u32 $0x1, s5;
	[smem:$0x7FF] =	sst s4;
	s7 =	sshll.u32 s3, $0x1;
	v4 =	vsel vm4, $0x41200000, v4;
	v0 =	vsel vm3, $0x46380000, v0;
	v2 =	vsel vm3, $0x46300000, v2  }
0x17: {  	s6 =	ssub.s32 $0x2, s5;
	_ =	strace $0x80000047;
	s7 =	sor.u32 s5, s7;
	v3 =	vsel vm3, $0x463FFC00, v3;
	v4 =	vsel vm3, $0x41300000, v4;
	v0 =	vsel vm2, $0x46480000, v0  }
0x18: {  	s8 =	sshrl.u32 s6, $0x1;
	s30 =	sshll.u32 s7, $0x12;
	s31 =	sshll.u32 s7, $0xF;
	v2 =	vsel vm2, $0x46400000, v2;
	v3 =	vsel vm2, $0x464FFC00, v3;
	v4 =	vsel vm2, $0x41400000, v4  }
0x19: {  	s11 =	sshll.u32 s7, $0x4;
	s10 =	ssub.s32 s6, s8;
	s5 =	sadd.s32 s0, s31;
	v1 =	vsel vm1, $0x46580000, v0;
	v0 =	vimm.s32 $0x0;
	v2 =	vsel vm1, $0x46500000, v2  }
0x1a: {  	s6 =	sadd.s32 s1, s31;
	s7 =	sor.u32 $0x4000, s30;
	s8 =	sor.u32 $0x8000, s30;
	v3 =	vsel vm1, $0x465FFC00, v3;
	v4 =	vsel vm1, $0x41500000, v4;
	v1 =	vsel vm0, $0x46680000, v1  }
0x1b: {  	s9 =	sadd.s32 s9, s11;
	s11 =	simm.s32 $0x4000;
	s10 =	smax.u32 s10, $0x1;
	v2 =	vsel vm0, $0x46600000, v2;
	v3 =	vsel vm0, $0x466FFC00, v3;
	v4 =	vsel vm0, $0x41600000, v4  }
.LBB2_1:
0x1c: {  	s22 =	simm.s32 $0x40  }
0x1d: {  	[tilespmem:s22+$0xFFFFFFC0] =	vst v0  }
0x1e: {  	[tilespmem:s22+$0x30] =	vst v0  }
0x1f: {  	[tilespmem:s22+$0x20] =	vst v0  }
0x20: {  	[tilespmem:s22+$0x10] =	vst v0  }
0x21: {  	[tilespmem:s22+$0x0] =	vst v0  }
0x22: {  	[tilespmem:s22+$0xFFFFFFF0] =	vst v0  }
0x23: {  	s23 =	simm.s32 $0x0;
	[tilespmem:s22+$0xFFFFFFE0] =	vst v0  }
.LBB2_2:
0x24: {  	s23 =	sadd.s32 $0x8, s23;
	[tilespmem:s22+$0xFFFFFFD0] =	vst v0;
	s22 =	sadd.s32 $0x80, s22  }
0x25: {  	[tilespmem:s22+$0xFFFFFFC0] =	vst v0;
	p0 =	slt.u32 s23, $0x3F8  }
0x26: {  	[tilespmem:s22+$0x30] =	vst v0  }
.Ltmp0:
0x27: {  	[tilespmem:s22+$0x20] =	vst v0;
	(pc) =	sbr.rel @p0 .LBB2_2-.Ltmp0, $4  }
0x28: {  	[tilespmem:s22+$0x10] =	vst v0  }
0x29: {  	[tilespmem:s22+$0x0] =	vst v0  }
0x2a: {  	[tilespmem:s22+$0xFFFFFFF0] =	vst v0  }
0x2b: {  	[tilespmem:s22+$0xFFFFFFE0] =	vst v0  }
0x2c: {  	[tilespmem:s22+$0xFFFFFFD0] =	vst v0;
	s22 =	simm.s32 $0x0  }
0x2d: {  	[tilespmem:s11], [sflag:$0x1] =	stream.linear.gather [hbm4b:s5+s22], $0x4000, $0x38;
	[tilespmem:$0x14880] =	vst v63  }
0x2e: {  	s23 =	simm.s32 $0x0  }
0x2f: {  	[tilespmem:s12], [sflag:$0x2] =	stream.linear.gather [hbm4b:s6+s22], $0x4000, $0x38;
	[tilespmem:$0x14880] =	vst v63  }
.LBB2_4:
0x30: {  	s24 =	sshll.u32 s23, $0xF  }
0x31: {  	s24 =	sadd.s32 s7, s24  }
0x32: {  	s24 =	sshrl.u32 s24, $0x3  }
0x33: {  	s25 =	sadd.s32 s0, s24  }
0x34: {  	[tilespmem:s13], [sflag:$0x3] =	stream.linear.gather [hbm4b:s25+s22], $0x4000, $0x38;
	[tilespmem:$0x14880] =	vst v63  }
0x35: {  	s24 =	sadd.s32 s1, s24  }
0x36: {  	[tilespmem:s14], [sflag:$0x4] =	stream.linear.gather [hbm4b:s24+s22], $0x4000, $0x38;
	[tilespmem:$0x14880] =	vst v63  }
0x37: {  	_ =	swait.ge [sflag:s15], $0x4000  }
0x38: {  	[sflag:s15] =	ssyncset.done $0x0  }
0x39: {  	[sflag:s15] =	ssyncadd.s32 $0xFFFFC000  }
0x3a: {  	s30 =	sand.u32 $0x3000, s22;
	s31 =	sand.u32 $0xC00, s22;
	_ =	swait.ge [sflag:s16], $0x4000  }
0x3b: {  	s26 =	sand.u32 $0x380, s22;
	s24 =	sor.u32 s31, s30;
	[sflag:s16] =	ssyncset.done $0x0  }
0x3c: {  	s24 =	sor.u32 s26, s24;
	[sflag:s16] =	ssyncadd.s32 $0xFFFFC000  }
0x3d: {  	v5 =	vld [tilespmem:s24+$0x8070]  }
0x3e: {  	v6 =	vld [tilespmem:s24+$0x8000]  }
0x3f: {  	v9 =	vld [tilespmem:s24+$0x8020]  }
0x40: {  	v10 =	vld [tilespmem:s24+$0x8030]  }
0x41: {  	v13 =	vld [tilespmem:s24+$0x8040]  }
0x42: {  	v14 =	vld [tilespmem:s24+$0x8050];
	_ =	sdelay $0x1  }
0x43: {  	v7 =	vld [tilespmem:s24+$0x4070];
	v11 =	vxor.u32 $0xFFFFFFFF, v5;
	v12 =	vxor.u32 $0xFFFFFFFF, v6  }
0x44: {  	v8 =	vld [tilespmem:s24+$0x8010];
	v6 =	vshll.u32 v6, $0xF;
	v17 =	vxor.u32 $0xFFFFFFFF, v9;
	v9 =	vshll.u32 v9, $0xF  }
0x45: {  	v15 =	vld [tilespmem:s24+$0x4000];
	v19 =	vxor.u32 $0xFFFFFFFF, v10;
	v10 =	vshll.u32 v10, $0xF;
	v21 =	vxor.u32 $0xFFFFFFFF, v13  }
0x46: {  	v20 =	vld [tilespmem:s24+$0x4020];
	v23 =	vxor.u32 $0xFFFFFFFF, v14;
	v13 =	vshll.u32 v13, $0xF;
	v5 =	vshll.u32 v5, $0xF  }
0x47: {  	v22 =	vld [tilespmem:s24+$0x4030];
	v11 =	vshll.u32 v11, $0x1F;
	v12 =	vshll.u32 v12, $0x1F;
	v16 =	vor.u32 $0x1, v6  }
0x48: {  	v24 =	vld [tilespmem:s24+$0x4040];
	v17 =	vshll.u32 v17, $0x1F;
	v19 =	vshll.u32 v19, $0x1F;
	v21 =	vshll.u32 v21, $0x1F  }
0x49: {  	v23 =	vshll.u32 v23, $0x1F;
	v5 =	vor.u32 $0x1, v5;
	v59 =	vor.u32 $0x1, v9  }
0x4a: {  	v18 =	vld [tilespmem:s24+$0x4010];
	v26 =	vor.u32 $0x1, v10;
	v28 =	vor.u32 $0x1, v13;
	v6 =	vxor.u32 v7, v11  }
0x4b: {  	v7 =	vxor.u32 $0xFFFFFFFF, v8;
	v8 =	vshll.u32 v8, $0xF;
	v12 =	vxor.u32 v15, v12  }
0x4c: {  	v11 =	vld [tilespmem:s24+$0x8060];
	v17 =	vxor.u32 v20, v17;
	v19 =	vxor.u32 v22, v19;
	v6 =	vmul.f32 $6.400000000e+01, v6  }
0x4d: {  	v15 =	vld [tilespmem:s24+$0x4050];
	v20 =	vxor.u32 v24, v21;
	v12 =	vmul.f32 $6.400000000e+01, v12;
	v17 =	vmul.f32 $6.400000000e+01, v17  }
0x4e: {  	v7 =	vshll.u32 v7, $0x1F;
	v19 =	vmul.f32 $6.400000000e+01, v19;
	v20 =	vmul.f32 $6.400000000e+01, v20  }
0x4f: {  	v7 =	vxor.u32 v18, v7;
	v6 =	vadd.f32 v1, v6;
	v12 =	vadd.f32 v1, v12  }
0x50: {  	s29 =	simm.s32 $0x400;
	s30 =	simm.s32 $0x80;
	v7 =	vmul.f32 $6.400000000e+01, v7;
	v17 =	vadd.f32 v1, v17;
	v19 =	vadd.f32 v1, v19  }
0x51: {  	s26 =	simm.s32 $0x20;
	s25 =	sand.u32 $0x3000, s30;
	v58 =	vld [tilespmem:s24+$0x4060];
	s24 =	sand.u32 $0xC00, s29;
	v20 =	vadd.f32 v1, v20;
	v6 =	vmax.f32 v6, v2;
	v25 =	vxor.u32 $0xFFFFFFFF, v11  }
0x52: {  	s31 =	sand.u32 $0x380, s26;
	s24 =	sor.u32 s24, s25;
	v7 =	vadd.f32 v1, v7;
	v15 =	vxor.u32 v15, v23;
	v12 =	vmax.f32 v12, v2  }
0x53: {  	s24 =	sor.u32 s31, s24;
	v17 =	vmax.f32 v17, v2;
	v19 =	vmax.f32 v19, v2;
	v6 =	vmin.f32 v6, v3  }
0x54: {  	v13 =	vld [tilespmem:s24+$0x8020];
	v20 =	vmax.f32 v20, v2;
	v11 =	vshll.u32 v11, $0xF;
	v6 =	vtrunc.f32 v6  }
0x55: {  	v18 =	vshll.u32 v25, $0x1F;
	v15 =	vmul.f32 $6.400000000e+01, v15;
	v6 =	vcvt.f32.s32 v6  }
0x56: {  	v12 =	vmin.f32 v12, v3;
	v17 =	vmin.f32 v17, v3;
	v19 =	vmin.f32 v19, v3  }
0x57: {  	v20 =	vmin.f32 v20, v3;
	v18 =	vxor.u32 v58, v18;
	v7 =	vmax.f32 v7, v2  }
0x58: {  	v34 =	vld [tilespmem:s24+$0x4020];
	v12 =	vtrunc.f32 v12;
	v18 =	vmul.f32 $6.400000000e+01, v18;
	v15 =	vadd.f32 v1, v15  }
0x59: {  	v7 =	vmin.f32 v7, v3;
	v22 =	vcvt.f32.s32 v12;
	v31 =	vxor.u32 $0xFFFFFFFF, v13  }
0x5a: {  	v21 =	vld [tilespmem:s24+$0x8000];
	v13 =	vshll.u32 v13, $0xF;
	v7 =	vtrunc.f32 v7;
	v31 =	vshll.u32 v31, $0x1F  }
0x5b: {  	v18 =	vadd.f32 v1, v18;
	v15 =	vmax.f32 v15, v2;
	v23 =	vcvt.f32.s32 v7;
	[tilespmem:v6+s4+$0x0] =	vst.idx.add.s32.msk $0xffff, v5  }
0x5c: {  	v15 =	vmin.f32 v15, v3;
	v6 =	vshll.u32 v14, $0xF;
	v14 =	vtrunc.f32 v19;
	v19 =	vld [tilespmem:s24+$0x8070]  }
0x5d: {  	v31 =	vxor.u32 v34, v31;
	v18 =	vmax.f32 v18, v2;
	v15 =	vtrunc.f32 v15  }
0x5e: {  	v12 =	vld [tilespmem:s24+$0x4070];
	v18 =	vmin.f32 v18, v3;
	v5 =	vtrunc.f32 v17;
	v17 =	vtrunc.f32 v20  }
0x5f: {  	v30 =	vld [tilespmem:s24+$0x4000];
	v20 =	vor.u32 $0x1, v8;
	v18 =	vtrunc.f32 v18;
	v8 =	vcvt.f32.s32 v15  }
0x60: {  	v15 =	vshll.u32 v21, $0xF;
	v60 =	vcvt.f32.s32 v5;
	v27 =	vcvt.f32.s32 v14;
	v14 =	vld [tilespmem:s24+$0x8030]  }
0x61: {  	v9 =	vor.u32 $0x1, v6;
	v7 =	vcvt.f32.s32 v18;
	v18 =	vld [tilespmem:s24+$0x8040];
	v5 =	vxor.u32 $0xFFFFFFFF, v19  }
0x62: {  	v10 =	vld [tilespmem:s24+$0x8010];
	v6 =	vor.u32 $0x1, v11;
	v11 =	vxor.u32 $0xFFFFFFFF, v21;
	v21 =	vshll.u32 v5, $0x1F  }
0x63: {  	v32 =	vld [tilespmem:s24+$0x4010];
	v29 =	vshll.u32 v11, $0x1F;
	v5 =	vor.u32 $0x1, v15;
	v15 =	vxor.u32 v12, v21  }
0x64: {  	v36 =	vld [tilespmem:s24+$0x4030];
	v17 =	vcvt.f32.s32 v17;
	v29 =	vxor.u32 v30, v29;
	v15 =	vmul.f32 $6.400000000e+01, v15  }
0x65: {  	v11 =	vld [tilespmem:s24+$0x8050];
	v29 =	vmul.f32 $6.400000000e+01, v29;
	v19 =	vshll.u32 v19, $0xF;
	v33 =	vxor.u32 $0xFFFFFFFF, v14  }
0x66: {  	v61 =	vld [tilespmem:s24+$0x4050];
	v14 =	vshll.u32 v14, $0xF;
	v35 =	vxor.u32 $0xFFFFFFFF, v18;
	v15 =	vadd.f32 v1, v15  }
0x67: {  	[tilespmem:v22+s4+$0x0] =	vst.idx.add.s32.msk $0xffff, v16;
	v16 =	vadd.f32 v1, v29;
	v19 =	vor.u32 $0x1, v19;
	v21 =	vxor.u32 $0xFFFFFFFF, v10  }
0x68: {  	v38 =	vld [tilespmem:s24+$0x4040];
	v12 =	vshll.u32 v10, $0xF;
	v21 =	vshll.u32 v21, $0x1F;
	v15 =	vmax.f32 v15, v2  }
0x69: {  	v10 =	vld [tilespmem:s24+$0x8060];
	v33 =	vshll.u32 v33, $0x1F;
	v21 =	vxor.u32 v32, v21;
	v15 =	vmin.f32 v15, v3  }
0x6a: {  	v62 =	vld [tilespmem:s24+$0x4060];
	v37 =	vxor.u32 $0xFFFFFFFF, v11;
	v21 =	vmul.f32 $6.400000000e+01, v21;
	v15 =	vtrunc.f32 v15  }
0x6b: {  	[tilespmem:v23+s4+$0x0] =	vst.idx.add.s32.msk $0xffff, v20;
	v35 =	vshll.u32 v35, $0x1F;
	v37 =	vshll.u32 v37, $0x1F;
	v40 =	vcvt.f32.s32 v15  }
0x6c: {  	v22 =	vxor.u32 v36, v33;
	v23 =	vxor.u32 v61, v37;
	v20 =	vadd.f32 v1, v21  }
0x6d: {  	v21 =	vmul.f32 $6.400000000e+01, v22;
	v15 =	vshll.u32 v18, $0xF;
	v18 =	vmul.f32 $6.400000000e+01, v31  }
0x6e: {  	[tilespmem:v60+s4+$0x0] =	vst.idx.add.s32.msk $0xffff, v59;
	v23 =	vmul.f32 $6.400000000e+01, v23;
	v39 =	vxor.u32 $0xFFFFFFFF, v10;
	v22 =	vxor.u32 v38, v35  }
0x6f: {  	[tilespmem:v17+s4+$0x0] =	vst.idx.add.s32.msk $0xffff, v28;
	v39 =	vshll.u32 v39, $0x1F;
	v17 =	vadd.f32 v1, v18;
	v18 =	vadd.f32 v1, v21  }
0x70: {  	[tilespmem:v27+s4+$0x0] =	vst.idx.add.s32.msk $0xffff, v26;
	v22 =	vmul.f32 $6.400000000e+01, v22;
	v63 =	vxor.u32 v62, v39;
	v20 =	vmax.f32 v20, v2  }
0x71: {  	v20 =	vmin.f32 v20, v3;
	v21 =	vmul.f32 $6.400000000e+01, v63;
	v18 =	vmax.f32 v18, v2;
	[tilespmem:v40+s4+$0x0] =	vst.idx.add.s32.msk $0xffff, v19  }
0x72: {  	v19 =	vmax.f32 v16, v2;
	v16 =	vadd.f32 v1, v22;
	v22 =	vadd.f32 v1, v23  }
0x73: {  	v17 =	vmax.f32 v17, v2;
	v21 =	vadd.f32 v1, v21;
	v18 =	vmin.f32 v18, v3  }
0x74: {  	s28 =	simm.s32 $0x100;
	v23 =	vmax.f32 v16, v2;
	v16 =	vmax.f32 v22, v2;
	v22 =	vmin.f32 v19, v3  }
0x75: {  	s26 =	simm.s32 $0x800;
	s25 =	simm.s32 $0x40;
	s24 =	simm.s32 $0x8;
	v19 =	vmax.f32 v21, v2;
	v21 =	vmin.f32 v17, v3;
	v17 =	vmin.f32 v23, v3  }
.LBB2_5:
0x76: {  	s29 =	sand.u32 $0x3000, s28;
	s30 =	sand.u32 $0xC00, s26;
	s24 =	sadd.s32 $0x8, s24;
	v22 =	vtrunc.f32 v22;
	v16 =	vmin.f32 v16, v3;
	v19 =	vmin.f32 v19, v3;
	[tilespmem:v8+s4+$0x0] =	vst.idx.add.s32.msk $0xffff, v9  }
0x77: {  	v8 =	vtrunc.f32 v20;
	v9 =	vtrunc.f32 v21;
	v11 =	vshll.u32 v11, $0xF;
	s29 =	sor.u32 s30, s29;
	s30 =	sand.u32 $0x380, s25;
	p0 =	slt.u32 s24, $0x3F8;
	[tilespmem:v7+s4+$0x0] =	vst.idx.add.s32.msk $0xffff, v6  }
0x78: {  	v10 =	vshll.u32 v10, $0xF;
	v6 =	vtrunc.f32 v18;
	v7 =	vtrunc.f32 v17;
	s29 =	sor.u32 s30, s29  }
0x79: {  	v18 =	vor.u32 $0x1, v12;
	v12 =	vtrunc.f32 v16;
	v16 =	vtrunc.f32 v19;
	v17 =	vld [tilespmem:s29+$0x8070]  }
0x7a: {  	v20 =	vcvt.f32.s32 v22;
	v21 =	vcvt.f32.s32 v8;
	v22 =	vor.u32 $0x1, v13;
	v19 =	vld [tilespmem:s29+$0x8000]  }
0x7b: {  	v24 =	vor.u32 $0x1, v14;
	v23 =	vcvt.f32.s32 v9;
	v25 =	vcvt.f32.s32 v6;
	v13 =	vld [tilespmem:s29+$0x4070]  }
0x7c: {  	v26 =	vor.u32 $0x1, v15;
	v27 =	vcvt.f32.s32 v7;
	v8 =	vcvt.f32.s32 v12;
	v14 =	vld [tilespmem:s29+$0x8010]  }
0x7d: {  	v9 =	vor.u32 $0x1, v11;
	v6 =	vor.u32 $0x1, v10;
	v7 =	vcvt.f32.s32 v16;
	v15 =	vld [tilespmem:s29+$0x8020]  }
0x7e: {  	v16 =	vld [tilespmem:s29+$0x8030];
	v10 =	vxor.u32 $0xFFFFFFFF, v17  }
0x7f: {  	v11 =	vxor.u32 $0xFFFFFFFF, v19;
	v12 =	vshll.u32 v19, $0xF;
	v19 =	vld [tilespmem:s29+$0x8040];
	v10 =	vshll.u32 v10, $0x1F  }
0x80: {  	v28 =	vshll.u32 v11, $0x1F;
	v29 =	vor.u32 $0x1, v12;
	v11 =	vld [tilespmem:s29+$0x8050];
	v13 =	vxor.u32 v13, v10  }
0x81: {  	v30 =	vxor.u32 $0xFFFFFFFF, v14;
	v12 =	vshll.u32 v14, $0xF;
	v10 =	vld [tilespmem:s29+$0x8060];
	v14 =	vmul.f32 $6.400000000e+01, v13  }
0x82: {  	v31 =	vld [tilespmem:s29+$0x4000];
	v30 =	vshll.u32 v30, $0x1F;
	v32 =	vxor.u32 $0xFFFFFFFF, v15;
	v13 =	vshll.u32 v15, $0xF  }
0x83: {  	v15 =	vld [tilespmem:s29+$0x4010];
	v32 =	vshll.u32 v32, $0x1F;
	v33 =	vxor.u32 $0xFFFFFFFF, v16;
	v34 =	vadd.f32 v1, v14  }
0x84: {  	v14 =	vshll.u32 v16, $0xF;
	v35 =	vld [tilespmem:s29+$0x4020];
	v33 =	vshll.u32 v33, $0x1F;
	v16 =	vxor.u32 $0xFFFFFFFF, v19  }
0x85: {  	v36 =	vld [tilespmem:s29+$0x4030];
	v16 =	vshll.u32 v16, $0x1F;
	v37 =	vxor.u32 $0xFFFFFFFF, v11;
	v34 =	vmax.f32 v34, v2  }
0x86: {  	v38 =	vld [tilespmem:s29+$0x4040];
	v37 =	vshll.u32 v37, $0x1F;
	v39 =	vxor.u32 $0xFFFFFFFF, v10;
	v34 =	vmin.f32 v34, v3  }
0x87: {  	v28 =	vxor.u32 v31, v28;
	v31 =	vld [tilespmem:s29+$0x4050];
	v39 =	vshll.u32 v39, $0x1F;
	v34 =	vtrunc.f32 v34  }
0x88: {  	v28 =	vmul.f32 $6.400000000e+01, v28;
	v15 =	vxor.u32 v15, v30;
	v30 =	vld [tilespmem:s29+$0x4060];
	v34 =	vcvt.f32.s32 v34  }
0x89: {  	v40 =	vmul.f32 $6.400000000e+01, v15;
	v32 =	vxor.u32 v35, v32;
	v15 =	vshll.u32 v19, $0xF;
	[tilespmem:v20+s4+$0x0] =	vst.idx.add.s32.msk $0xffff, v5;
	v5 =	vmovc v29  }
0x8a: {  	v19 =	vadd.f32 v1, v28;
	v20 =	vmul.f32 $6.400000000e+01, v32;
	v28 =	vxor.u32 v36, v33;
	[tilespmem:v21+s4+$0x0] =	vst.idx.add.s32.msk $0xffff, v18  }
0x8b: {  	v18 =	vadd.f32 v1, v40;
	v21 =	vmul.f32 $6.400000000e+01, v28;
	v16 =	vxor.u32 v38, v16;
	[tilespmem:v23+s4+$0x0] =	vst.idx.add.s32.msk $0xffff, v22  }
0x8c: {  	v17 =	vshll.u32 v17, $0xF;
	v16 =	vmul.f32 $6.400000000e+01, v16;
	v22 =	vxor.u32 v31, v37;
	[tilespmem:v25+s4+$0x0] =	vst.idx.add.s32.msk $0xffff, v24  }
0x8d: {  	v17 =	vor.u32 $0x1, v17;
	v22 =	vmul.f32 $6.400000000e+01, v22;
	v23 =	vxor.u32 v30, v39;
	[tilespmem:v27+s4+$0x0] =	vst.idx.add.s32.msk $0xffff, v26  }
0x8e: {  	v20 =	vadd.f32 v1, v20;
	v21 =	vadd.f32 v1, v21;
	v23 =	vmul.f32 $6.400000000e+01, v23;
	[tilespmem:v34+s4+$0x0] =	vst.idx.add.s32.msk $0xffff, v17  }
.Ltmp1:
0x8f: {  	v17 =	vmax.f32 v19, v2;
	v16 =	vadd.f32 v1, v16;
	v19 =	vadd.f32 v1, v22;
	(pc) =	sbr.rel @p0 .LBB2_5-.Ltmp1, $4  }
0x90: {  	v18 =	vmax.f32 v18, v2;
	v24 =	vmax.f32 v20, v2;
	v23 =	vadd.f32 v1, v23  }
0x91: {  	v25 =	vmax.f32 v21, v2;
	v26 =	vmax.f32 v16, v2;
	v16 =	vmax.f32 v19, v2  }
0x92: {  	v20 =	vmin.f32 v18, v3;
	v22 =	vmin.f32 v17, v3;
	v19 =	vmax.f32 v23, v2  }
0x93: {  	s26 =	sadd.s32 $0x400, s26;
	s28 =	sadd.s32 $0x80, s28;
	s25 =	sadd.s32 $0x20, s25;
	v21 =	vmin.f32 v24, v3;
	v18 =	vmin.f32 v25, v3;
	v17 =	vmin.f32 v26, v3  }
0x94: {  	v22 =	vtrunc.f32 v22  }
0x95: {  	v20 =	vtrunc.f32 v20;
	v22 =	vcvt.f32.s32 v22  }
0x96: {  	v21 =	vtrunc.f32 v21;
	v20 =	vcvt.f32.s32 v20  }
0x97: {  	v18 =	vtrunc.f32 v18;
	v21 =	vcvt.f32.s32 v21  }
0x98: {  	v16 =	vmin.f32 v16, v3;
	v17 =	vtrunc.f32 v17;
	v18 =	vcvt.f32.s32 v18  }
0x99: {  	v19 =	vmin.f32 v19, v3;
	[tilespmem:v8+s4+$0x0] =	vst.idx.add.s32.msk $0xffff, v9;
	v8 =	vtrunc.f32 v16;
	v9 =	vcvt.f32.s32 v17  }
0x9a: {  	[tilespmem:v7+s4+$0x0] =	vst.idx.add.s32.msk $0xffff, v6;
	v6 =	vtrunc.f32 v19;
	v7 =	vcvt.f32.s32 v8  }
0x9b: {  	v8 =	vor.u32 $0x1, v12;
	v6 =	vcvt.f32.s32 v6;
	[tilespmem:v22+s4+$0x0] =	vst.idx.add.s32.msk $0xffff, v5  }
0x9c: {  	s24 =	sshll.u32 s23, $0x1;
	v5 =	vor.u32 $0x1, v13;
	[tilespmem:v20+s4+$0x0] =	vst.idx.add.s32.msk $0xffff, v8  }
0x9d: {  	s24 =	smin.u32 s24, $0xC;
	v8 =	vor.u32 $0x1, v14;
	[tilespmem:v21+s4+$0x0] =	vst.idx.add.s32.msk $0xffff, v5  }
0x9e: {  	s24 =	sshll.u32 s24, $0xE;
	v5 =	vshll.u32 v11, $0xF;
	v11 =	vor.u32 $0x1, v15;
	[tilespmem:v18+s4+$0x0] =	vst.idx.add.s32.msk $0xffff, v8  }
0x9f: {  	s24 =	sadd.s32 s24, s8;
	v8 =	vshll.u32 v10, $0xF;
	v5 =	vor.u32 $0x1, v5;
	[tilespmem:v9+s4+$0x0] =	vst.idx.add.s32.msk $0xffff, v11  }
0xa0: {  	s24 =	sshrl.u32 s24, $0x3;
	v8 =	vor.u32 $0x1, v8;
	[tilespmem:v7+s4+$0x0] =	vst.idx.add.s32.msk $0xffff, v5  }
0xa1: {  	s26 =	simm.s32 $0x0;
	s25 =	sadd.s32 s0, s24;
	[tilespmem:v6+s4+$0x0] =	vst.idx.add.s32.msk $0xffff, v8  }
0xa2: {  	[tilespmem:s11], [sflag:$0x1] =	stream.linear.gather [hbm4b:s25+s26], $0x4000, $0x38;
	[tilespmem:$0x14880] =	vst v63  }
0xa3: {  	s24 =	sadd.s32 s1, s24  }
0xa4: {  	[tilespmem:s12], [sflag:$0x2] =	stream.linear.gather [hbm4b:s24+s26], $0x4000, $0x38;
	[tilespmem:$0x14880] =	vst v63  }
0xa5: {  	_ =	swait.ge [sflag:s17], $0x4000  }
0xa6: {  	[sflag:s17] =	ssyncset.done $0x0  }
0xa7: {  	[sflag:s17] =	ssyncadd.s32 $0xFFFFC000  }
0xa8: {  	s29 =	sand.u32 $0x3000, s26;
	s30 =	sand.u32 $0xC00, s26;
	_ =	swait.ge [sflag:s18], $0x4000  }
0xa9: {  	s31 =	sand.u32 $0x380, s26;
	s24 =	sor.u32 s30, s29;
	[sflag:s18] =	ssyncset.done $0x0  }
0xaa: {  	s24 =	sor.u32 s31, s24;
	[sflag:s18] =	ssyncadd.s32 $0xFFFFC000  }
0xab: {  	v5 =	vld [tilespmem:s24+$0x10070]  }
0xac: {  	v6 =	vld [tilespmem:s24+$0x10000]  }
0xad: {  	v9 =	vld [tilespmem:s24+$0x10020]  }
0xae: {  	v10 =	vld [tilespmem:s24+$0x10030]  }
0xaf: {  	v13 =	vld [tilespmem:s24+$0x10040]  }
0xb0: {  	v14 =	vld [tilespmem:s24+$0x10050];
	_ =	sdelay $0x1  }
0xb1: {  	v7 =	vld [tilespmem:s24+$0xC070];
	v11 =	vxor.u32 $0xFFFFFFFF, v5;
	v12 =	vxor.u32 $0xFFFFFFFF, v6  }
0xb2: {  	v8 =	vld [tilespmem:s24+$0x10010];
	v6 =	vshll.u32 v6, $0xF;
	v17 =	vxor.u32 $0xFFFFFFFF, v9;
	v9 =	vshll.u32 v9, $0xF  }
0xb3: {  	v15 =	vld [tilespmem:s24+$0xC000];
	v19 =	vxor.u32 $0xFFFFFFFF, v10;
	v10 =	vshll.u32 v10, $0xF;
	v21 =	vxor.u32 $0xFFFFFFFF, v13  }
0xb4: {  	v20 =	vld [tilespmem:s24+$0xC020];
	v23 =	vxor.u32 $0xFFFFFFFF, v14;
	v13 =	vshll.u32 v13, $0xF;
	v5 =	vshll.u32 v5, $0xF  }
0xb5: {  	v22 =	vld [tilespmem:s24+$0xC030];
	v11 =	vshll.u32 v11, $0x1F;
	v12 =	vshll.u32 v12, $0x1F;
	v16 =	vor.u32 $0x1, v6  }
0xb6: {  	v24 =	vld [tilespmem:s24+$0xC040];
	v17 =	vshll.u32 v17, $0x1F;
	v19 =	vshll.u32 v19, $0x1F;
	v21 =	vshll.u32 v21, $0x1F  }
0xb7: {  	v23 =	vshll.u32 v23, $0x1F;
	v5 =	vor.u32 $0x1, v5;
	v59 =	vor.u32 $0x1, v9  }
0xb8: {  	v18 =	vld [tilespmem:s24+$0xC010];
	v26 =	vor.u32 $0x1, v10;
	v28 =	vor.u32 $0x1, v13;
	v6 =	vxor.u32 v7, v11  }
0xb9: {  	v7 =	vxor.u32 $0xFFFFFFFF, v8;
	v8 =	vshll.u32 v8, $0xF;
	v12 =	vxor.u32 v15, v12  }
0xba: {  	v11 =	vld [tilespmem:s24+$0x10060];
	v17 =	vxor.u32 v20, v17;
	v19 =	vxor.u32 v22, v19;
	v6 =	vmul.f32 $6.400000000e+01, v6  }
0xbb: {  	v15 =	vld [tilespmem:s24+$0xC050];
	v20 =	vxor.u32 v24, v21;
	v12 =	vmul.f32 $6.400000000e+01, v12;
	v17 =	vmul.f32 $6.400000000e+01, v17  }
0xbc: {  	v7 =	vshll.u32 v7, $0x1F;
	v19 =	vmul.f32 $6.400000000e+01, v19;
	v20 =	vmul.f32 $6.400000000e+01, v20  }
0xbd: {  	v7 =	vxor.u32 v18, v7;
	v6 =	vadd.f32 v1, v6;
	v12 =	vadd.f32 v1, v12  }
0xbe: {  	s26 =	simm.s32 $0x400;
	s29 =	simm.s32 $0x80;
	v7 =	vmul.f32 $6.400000000e+01, v7;
	v17 =	vadd.f32 v1, v17;
	v19 =	vadd.f32 v1, v19  }
0xbf: {  	s30 =	simm.s32 $0x20;
	s25 =	sand.u32 $0x3000, s29;
	v58 =	vld [tilespmem:s24+$0xC060];
	s24 =	sand.u32 $0xC00, s26;
	v20 =	vadd.f32 v1, v20;
	v6 =	vmax.f32 v6, v2;
	v25 =	vxor.u32 $0xFFFFFFFF, v11  }
0xc0: {  	s31 =	sand.u32 $0x380, s30;
	s24 =	sor.u32 s24, s25;
	v7 =	vadd.f32 v1, v7;
	v15 =	vxor.u32 v15, v23;
	v12 =	vmax.f32 v12, v2  }
0xc1: {  	s24 =	sor.u32 s31, s24;
	v17 =	vmax.f32 v17, v2;
	v19 =	vmax.f32 v19, v2;
	v6 =	vmin.f32 v6, v3  }
0xc2: {  	v21 =	vld [tilespmem:s24+$0x10000];
	v20 =	vmax.f32 v20, v2;
	v11 =	vshll.u32 v11, $0xF;
	v6 =	vtrunc.f32 v6  }
0xc3: {  	v13 =	vld [tilespmem:s24+$0x10020];
	v18 =	vshll.u32 v25, $0x1F;
	v15 =	vmul.f32 $6.400000000e+01, v15;
	v6 =	vcvt.f32.s32 v6  }
0xc4: {  	v12 =	vmin.f32 v12, v3;
	v17 =	vmin.f32 v17, v3;
	v19 =	vmin.f32 v19, v3  }
0xc5: {  	v20 =	vmin.f32 v20, v3;
	v18 =	vxor.u32 v58, v18;
	v7 =	vmax.f32 v7, v2  }
0xc6: {  	v12 =	vtrunc.f32 v12;
	v18 =	vmul.f32 $6.400000000e+01, v18;
	v15 =	vadd.f32 v1, v15  }
0xc7: {  	v7 =	vmin.f32 v7, v3;
	v22 =	vcvt.f32.s32 v12;
	v10 =	vxor.u32 $0xFFFFFFFF, v21  }
0xc8: {  	v31 =	vxor.u32 $0xFFFFFFFF, v13;
	v13 =	vshll.u32 v13, $0xF;
	v7 =	vtrunc.f32 v7  }
0xc9: {  	v29 =	vshll.u32 v10, $0x1F;
	v18 =	vadd.f32 v1, v18;
	v15 =	vmax.f32 v15, v2;
	[tilespmem:v6+s4+$0x0] =	vst.idx.add.s32.msk $0xffff, v5  }
0xca: {  	v15 =	vmin.f32 v15, v3;
	v6 =	vshll.u32 v14, $0xF;
	v14 =	vtrunc.f32 v19;
	v19 =	vld [tilespmem:s24+$0x10070]  }
0xcb: {  	v35 =	vld [tilespmem:s24+$0xC020];
	v23 =	vcvt.f32.s32 v7;
	v18 =	vmax.f32 v18, v2;
	v15 =	vtrunc.f32 v15  }
0xcc: {  	v12 =	vld [tilespmem:s24+$0xC070];
	v18 =	vmin.f32 v18, v3;
	v5 =	vtrunc.f32 v17;
	v17 =	vtrunc.f32 v20  }
0xcd: {  	v31 =	vshll.u32 v31, $0x1F;
	v18 =	vtrunc.f32 v18;
	v27 =	vcvt.f32.s32 v14;
	v14 =	vld [tilespmem:s24+$0x10010]  }
0xce: {  	v20 =	vor.u32 $0x1, v8;
	v8 =	vcvt.f32.s32 v15;
	v15 =	vld [tilespmem:s24+$0x10030];
	v60 =	vcvt.f32.s32 v5  }
0xcf: {  	v32 =	vld [tilespmem:s24+$0xC010];
	v9 =	vor.u32 $0x1, v6;
	v6 =	vor.u32 $0x1, v11;
	v5 =	vxor.u32 $0xFFFFFFFF, v19  }
0xd0: {  	v7 =	vcvt.f32.s32 v18;
	v11 =	vshll.u32 v21, $0xF;
	v18 =	vld [tilespmem:s24+$0x10040];
	v21 =	vshll.u32 v5, $0x1F  }
0xd1: {  	v10 =	vld [tilespmem:s24+$0x10050];
	v31 =	vxor.u32 v35, v31;
	v5 =	vor.u32 $0x1, v11;
	v21 =	vxor.u32 v12, v21  }
0xd2: {  	v30 =	vxor.u32 $0xFFFFFFFF, v14;
	v11 =	vld [tilespmem:s24+$0x10060];
	v12 =	vshll.u32 v14, $0xF;
	v14 =	vmul.f32 $6.400000000e+01, v21  }
0xd3: {  	v17 =	vcvt.f32.s32 v17;
	v33 =	vxor.u32 $0xFFFFFFFF, v15;
	v30 =	vshll.u32 v30, $0x1F;
	v21 =	vld [tilespmem:s24+$0xC000]  }
0xd4: {  	v36 =	vld [tilespmem:s24+$0xC030];
	v19 =	vshll.u32 v19, $0xF;
	v30 =	vxor.u32 v32, v30;
	v34 =	vadd.f32 v1, v14  }
0xd5: {  	v38 =	vld [tilespmem:s24+$0xC040];
	v30 =	vmul.f32 $6.400000000e+01, v30;
	v14 =	vshll.u32 v15, $0xF;
	v15 =	vxor.u32 $0xFFFFFFFF, v18  }
0xd6: {  	v61 =	vld [tilespmem:s24+$0xC050];
	v37 =	vshll.u32 v15, $0x1F;
	v15 =	vxor.u32 $0xFFFFFFFF, v10;
	v34 =	vmax.f32 v34, v2  }
0xd7: {  	v62 =	vld [tilespmem:s24+$0xC060];
	v39 =	vshll.u32 v15, $0x1F;
	v15 =	vxor.u32 $0xFFFFFFFF, v11;
	v34 =	vmin.f32 v34, v3  }
0xd8: {  	[tilespmem:v22+s4+$0x0] =	vst.idx.add.s32.msk $0xffff, v16;
	v21 =	vxor.u32 v21, v29;
	v40 =	vshll.u32 v15, $0x1F;
	v15 =	vtrunc.f32 v34  }
0xd9: {  	[tilespmem:v23+s4+$0x0] =	vst.idx.add.s32.msk $0xffff, v20;
	v33 =	vshll.u32 v33, $0x1F;
	v21 =	vmul.f32 $6.400000000e+01, v21;
	v34 =	vcvt.f32.s32 v15  }
0xda: {  	v19 =	vor.u32 $0x1, v19;
	[tilespmem:v60+s4+$0x0] =	vst.idx.add.s32.msk $0xffff, v59;
	v20 =	vadd.f32 v1, v30;
	v22 =	vxor.u32 v38, v37  }
0xdb: {  	v23 =	vxor.u32 v61, v39;
	v16 =	vadd.f32 v1, v21;
	v21 =	vxor.u32 v36, v33  }
0xdc: {  	[tilespmem:v27+s4+$0x0] =	vst.idx.add.s32.msk $0xffff, v26;
	v15 =	vshll.u32 v18, $0xF;
	v18 =	vmul.f32 $6.400000000e+01, v31;
	v21 =	vmul.f32 $6.400000000e+01, v21  }
0xdd: {  	[tilespmem:v17+s4+$0x0] =	vst.idx.add.s32.msk $0xffff, v28;
	v22 =	vmul.f32 $6.400000000e+01, v22;
	v20 =	vmax.f32 v20, v2;
	v23 =	vmul.f32 $6.400000000e+01, v23  }
0xde: {  	v63 =	vxor.u32 v62, v40;
	v17 =	vadd.f32 v1, v18;
	v18 =	vadd.f32 v1, v21  }
0xdf: {  	v20 =	vmin.f32 v20, v3;
	v21 =	vmul.f32 $6.400000000e+01, v63;
	[tilespmem:v34+s4+$0x0] =	vst.idx.add.s32.msk $0xffff, v19;
	v19 =	vmax.f32 v16, v2  }
0xe0: {  	v16 =	vadd.f32 v1, v22;
	v22 =	vadd.f32 v1, v23;
	v18 =	vmax.f32 v18, v2  }
0xe1: {  	v17 =	vmax.f32 v17, v2;
	v21 =	vadd.f32 v1, v21;
	v18 =	vmin.f32 v18, v3  }
0xe2: {  	s28 =	simm.s32 $0x100;
	v23 =	vmax.f32 v16, v2;
	v16 =	vmax.f32 v22, v2;
	v22 =	vmin.f32 v19, v3  }
0xe3: {  	s26 =	simm.s32 $0x800;
	s25 =	simm.s32 $0x40;
	s24 =	simm.s32 $0x8;
	v19 =	vmax.f32 v21, v2;
	v21 =	vmin.f32 v17, v3;
	v17 =	vmin.f32 v23, v3  }
.LBB2_7:
0xe4: {  	s29 =	sand.u32 $0x3000, s28;
	s30 =	sand.u32 $0xC00, s26;
	s24 =	sadd.s32 $0x8, s24;
	v22 =	vtrunc.f32 v22;
	v16 =	vmin.f32 v16, v3;
	v19 =	vmin.f32 v19, v3;
	[tilespmem:v8+s4+$0x0] =	vst.idx.add.s32.msk $0xffff, v9  }
0xe5: {  	v8 =	vtrunc.f32 v20;
	v9 =	vtrunc.f32 v21;
	v10 =	vshll.u32 v10, $0xF;
	s29 =	sor.u32 s30, s29;
	s30 =	sand.u32 $0x380, s25;
	p0 =	slt.u32 s24, $0x3F8;
	[tilespmem:v7+s4+$0x0] =	vst.idx.add.s32.msk $0xffff, v6  }
0xe6: {  	v11 =	vshll.u32 v11, $0xF;
	v6 =	vtrunc.f32 v18;
	v7 =	vtrunc.f32 v17;
	s29 =	sor.u32 s30, s29  }
0xe7: {  	v18 =	vor.u32 $0x1, v12;
	v12 =	vtrunc.f32 v16;
	v16 =	vtrunc.f32 v19;
	v17 =	vld [tilespmem:s29+$0x10070]  }
0xe8: {  	v20 =	vcvt.f32.s32 v22;
	v21 =	vcvt.f32.s32 v8;
	v22 =	vor.u32 $0x1, v13;
	v19 =	vld [tilespmem:s29+$0x10000]  }
0xe9: {  	v24 =	vor.u32 $0x1, v14;
	v23 =	vcvt.f32.s32 v9;
	v25 =	vcvt.f32.s32 v6;
	v13 =	vld [tilespmem:s29+$0xC070]  }
0xea: {  	v26 =	vor.u32 $0x1, v15;
	v27 =	vcvt.f32.s32 v7;
	v8 =	vcvt.f32.s32 v12;
	v14 =	vld [tilespmem:s29+$0x10010]  }
0xeb: {  	v9 =	vor.u32 $0x1, v10;
	v6 =	vor.u32 $0x1, v11;
	v7 =	vcvt.f32.s32 v16;
	v15 =	vld [tilespmem:s29+$0x10020]  }
0xec: {  	v16 =	vld [tilespmem:s29+$0x10030];
	v10 =	vxor.u32 $0xFFFFFFFF, v17  }
0xed: {  	v11 =	vxor.u32 $0xFFFFFFFF, v19;
	v12 =	vshll.u32 v19, $0xF;
	v19 =	vld [tilespmem:s29+$0x10040];
	v28 =	vshll.u32 v10, $0x1F  }
0xee: {  	v29 =	vshll.u32 v11, $0x1F;
	v30 =	vor.u32 $0x1, v12;
	v10 =	vld [tilespmem:s29+$0x10050];
	v13 =	vxor.u32 v13, v28  }
0xef: {  	v28 =	vxor.u32 $0xFFFFFFFF, v14;
	v12 =	vshll.u32 v14, $0xF;
	v11 =	vld [tilespmem:s29+$0x10060];
	v14 =	vmul.f32 $6.400000000e+01, v13  }
0xf0: {  	v31 =	vld [tilespmem:s29+$0xC000];
	v28 =	vshll.u32 v28, $0x1F;
	v32 =	vxor.u32 $0xFFFFFFFF, v15;
	v13 =	vshll.u32 v15, $0xF  }
0xf1: {  	v15 =	vld [tilespmem:s29+$0xC010];
	v32 =	vshll.u32 v32, $0x1F;
	v33 =	vxor.u32 $0xFFFFFFFF, v16;
	v34 =	vadd.f32 v1, v14  }
0xf2: {  	v14 =	vshll.u32 v16, $0xF;
	v35 =	vld [tilespmem:s29+$0xC020];
	v33 =	vshll.u32 v33, $0x1F;
	v16 =	vxor.u32 $0xFFFFFFFF, v19  }
0xf3: {  	v36 =	vld [tilespmem:s29+$0xC030];
	v16 =	vshll.u32 v16, $0x1F;
	v37 =	vxor.u32 $0xFFFFFFFF, v10;
	v34 =	vmax.f32 v34, v2  }
0xf4: {  	v38 =	vld [tilespmem:s29+$0xC040];
	v37 =	vshll.u32 v37, $0x1F;
	v39 =	vxor.u32 $0xFFFFFFFF, v11;
	v34 =	vmin.f32 v34, v3  }
0xf5: {  	v29 =	vxor.u32 v31, v29;
	v31 =	vld [tilespmem:s29+$0xC050];
	v39 =	vshll.u32 v39, $0x1F;
	v34 =	vtrunc.f32 v34  }
0xf6: {  	v29 =	vmul.f32 $6.400000000e+01, v29;
	v15 =	vxor.u32 v15, v28;
	v28 =	vld [tilespmem:s29+$0xC060];
	v34 =	vcvt.f32.s32 v34  }
0xf7: {  	v40 =	vmul.f32 $6.400000000e+01, v15;
	v32 =	vxor.u32 v35, v32;
	v15 =	vshll.u32 v19, $0xF;
	[tilespmem:v20+s4+$0x0] =	vst.idx.add.s32.msk $0xffff, v5;
	v5 =	vmovc v30  }
0xf8: {  	v19 =	vadd.f32 v1, v29;
	v20 =	vmul.f32 $6.400000000e+01, v32;
	v29 =	vxor.u32 v36, v33;
	[tilespmem:v21+s4+$0x0] =	vst.idx.add.s32.msk $0xffff, v18  }
0xf9: {  	v18 =	vadd.f32 v1, v40;
	v21 =	vmul.f32 $6.400000000e+01, v29;
	v16 =	vxor.u32 v38, v16;
	[tilespmem:v23+s4+$0x0] =	vst.idx.add.s32.msk $0xffff, v22  }
0xfa: {  	v17 =	vshll.u32 v17, $0xF;
	v16 =	vmul.f32 $6.400000000e+01, v16;
	v22 =	vxor.u32 v31, v37;
	[tilespmem:v25+s4+$0x0] =	vst.idx.add.s32.msk $0xffff, v24  }
0xfb: {  	v17 =	vor.u32 $0x1, v17;
	v22 =	vmul.f32 $6.400000000e+01, v22;
	v23 =	vxor.u32 v28, v39;
	[tilespmem:v27+s4+$0x0] =	vst.idx.add.s32.msk $0xffff, v26  }
0xfc: {  	v20 =	vadd.f32 v1, v20;
	v21 =	vadd.f32 v1, v21;
	v23 =	vmul.f32 $6.400000000e+01, v23;
	[tilespmem:v34+s4+$0x0] =	vst.idx.add.s32.msk $0xffff, v17  }
.Ltmp2:
0xfd: {  	v17 =	vmax.f32 v19, v2;
	v16 =	vadd.f32 v1, v16;
	v19 =	vadd.f32 v1, v22;
	(pc) =	sbr.rel @p0 .LBB2_7-.Ltmp2, $4  }
0xfe: {  	v18 =	vmax.f32 v18, v2;
	v24 =	vmax.f32 v20, v2;
	v23 =	vadd.f32 v1, v23  }
0xff: {  	v25 =	vmax.f32 v21, v2;
	v26 =	vmax.f32 v16, v2;
	v16 =	vmax.f32 v19, v2  }
0x100: {  	v20 =	vmin.f32 v18, v3;
	v22 =	vmin.f32 v17, v3;
	v19 =	vmax.f32 v23, v2  }
0x101: {  	s26 =	sadd.s32 $0x400, s26;
	s28 =	sadd.s32 $0x80, s28;
	s25 =	sadd.s32 $0x20, s25;
	v21 =	vmin.f32 v24, v3;
	v18 =	vmin.f32 v25, v3;
	v17 =	vmin.f32 v26, v3  }
0x102: {  	v22 =	vtrunc.f32 v22  }
0x103: {  	v20 =	vtrunc.f32 v20;
	v22 =	vcvt.f32.s32 v22  }
0x104: {  	v18 =	vtrunc.f32 v18;
	v20 =	vcvt.f32.s32 v20  }
0x105: {  	v17 =	vtrunc.f32 v17;
	v18 =	vcvt.f32.s32 v18  }
0x106: {  	v21 =	vtrunc.f32 v21;
	v19 =	vmin.f32 v19, v3;
	v59 =	vcvt.f32.s32 v17  }
0x107: {  	v16 =	vmin.f32 v16, v3;
	[tilespmem:v7+s4+$0x0] =	vst.idx.add.s32.msk $0xffff, v6;
	v21 =	vcvt.f32.s32 v21;
	v6 =	vtrunc.f32 v19  }
0x108: {  	[tilespmem:v8+s4+$0x0] =	vst.idx.add.s32.msk $0xffff, v9;
	v58 =	vtrunc.f32 v16;
	v6 =	vcvt.f32.s32 v6  }
0x109: {  	v60 =	vor.u32 $0x1, v12;
	s23 =	sadd.s32 $0x1, s23;
	v7 =	vcvt.f32.s32 v58;
	[tilespmem:v22+s4+$0x0] =	vst.idx.add.s32.msk $0xffff, v5  }
0x10a: {  	v61 =	vor.u32 $0x1, v14;
	p0 =	sne.s32 s23, $0x8;
	[tilespmem:v20+s4+$0x0] =	vst.idx.add.s32.msk $0xffff, v60  }
.Ltmp3:
0x10b: {  	v62 =	vor.u32 $0x1, v15;
	[tilespmem:v18+s4+$0x0] =	vst.idx.add.s32.msk $0xffff, v61;
	(pc) =	sbr.rel @p0 .LBB2_4-.Ltmp3, $4  }
0x10c: {  	v63 =	vshll.u32 v11, $0xF;
	v5 =	vor.u32 $0x1, v13;
	[tilespmem:v59+s4+$0x0] =	vst.idx.add.s32.msk $0xffff, v62  }
0x10d: {  	v8 =	vor.u32 $0x1, v63;
	[tilespmem:v21+s4+$0x0] =	vst.idx.add.s32.msk $0xffff, v5;
	v5 =	vshll.u32 v10, $0xF  }
0x10e: {  	[tilespmem:v6+s4+$0x0] =	vst.idx.add.s32.msk $0xffff, v8;
	v5 =	vor.u32 $0x1, v5  }
0x10f: {  	[tilespmem:v7+s4+$0x0] =	vst.idx.add.s32.msk $0xffff, v5  }
0x110: {  	_ =	swait.ge [sflag:s15], $0x4000  }
0x111: {  	[sflag:s15] =	ssyncset.done $0x0  }
0x112: {  	[sflag:s15] =	ssyncadd.s32 $0xFFFFC000  }
0x113: {  	_ =	swait.ge [sflag:s16], $0x4000  }
0x114: {  	[sflag:s16] =	ssyncset.done $0x0  }
0x115: {  	s22 =	simm.s32 $0x0;
	[sflag:s16] =	ssyncadd.s32 $0xFFFFC000  }
0x116: {  	s23 =	sand.u32 $0x3F0, s22;
	v6 =	vld [tilespmem:s22+$0x0]  }
0x117: {  	v7 =	vld [tilespmem:s23+$0x1000]  }
0x118: {  	v8 =	vld [tilespmem:s23+$0xC00]  }
0x119: {  	v9 =	vld [tilespmem:s23+$0x800]  }
0x11a: {  	v10 =	vld [tilespmem:s23+$0x400];
	_ =	sdelay $0x1  }
0x11b: {  	v11 =	vld [tilespmem:s23+$0x1400]  }
0x11c: {  	v12 =	vshrl.u32 v6, $0xF;
	v6 =	vand.u32 $0x7FFF, v6  }
0x11d: {  	v13 =	vld [tilespmem:s23+$0x1800];
	v14 =	vand.u32 $0x7FFF, v9;
	v9 =	vshrl.u32 v9, $0xF;
	v15 =	vand.u32 $0x7FFF, v8  }
0x11e: {  	v18 =	vld [tilespmem:s23+$0x1C00];
	v16 =	vand.u32 $0x7FFF, v10;
	v10 =	vshrl.u32 v10, $0xF;
	v17 =	vshrl.u32 v7, $0xF  }
0x11f: {  	v62 =	vld [tilespmem:s23+$0x2000];
	v8 =	vshrl.u32 v8, $0xF;
	v7 =	vand.u32 $0x7FFF, v7;
	v6 =	vadd.s32 v6, v16  }
0x120: {  	v10 =	vadd.s32 v12, v10;
	v12 =	vand.u32 $0x7FFF, v11;
	v6 =	vadd.s32 v14, v6  }
0x121: {  	v11 =	vshrl.u32 v11, $0xF;
	v9 =	vadd.s32 v9, v10;
	v6 =	vadd.s32 v15, v6;
	v15 =	vld [tilespmem:s23+$0x2400]  }
0x122: {  	v14 =	vshrl.u32 v13, $0xF;
	v10 =	vld [tilespmem:s23+$0x2800];
	v8 =	vadd.s32 v8, v9;
	v6 =	vadd.s32 v7, v6  }
0x123: {  	v9 =	vand.u32 $0x7FFF, v18;
	v7 =	vand.u32 $0x7FFF, v13;
	v6 =	vadd.s32 v12, v6;
	v12 =	vld [tilespmem:s23+$0x2C00]  }
0x124: {  	v13 =	vshrl.u32 v62, $0xF;
	v8 =	vadd.s32 v17, v8;
	v6 =	vadd.s32 v7, v6  }
0x125: {  	v8 =	vadd.s32 v11, v8;
	v6 =	vadd.s32 v9, v6;
	v9 =	vand.u32 $0x7FFF, v62  }
0x126: {  	v7 =	vshrl.u32 v18, $0xF;
	v6 =	vadd.s32 v9, v6;
	v9 =	vand.u32 $0x7FFF, v15  }
0x127: {  	v63 =	vld [tilespmem:s23+$0x3000];
	v8 =	vadd.s32 v14, v8;
	v6 =	vadd.s32 v9, v6;
	v9 =	vand.u32 $0x7FFF, v10  }
0x128: {  	v11 =	vld [tilespmem:s23+$0x3400];
	v7 =	vadd.s32 v7, v8;
	v8 =	vadd.s32 v9, v6;
	v9 =	vand.u32 $0x7FFF, v12  }
0x129: {  	v7 =	vadd.s32 v13, v7;
	v6 =	vld [tilespmem:s23+$0x3800];
	v13 =	vadd.s32 v9, v8;
	v9 =	vshrl.u32 v15, $0xF  }
0x12a: {  	v10 =	vshrl.u32 v10, $0xF;
	v7 =	vadd.s32 v9, v7  }
0x12b: {  	v5 =	vimm.f32 $0.0e+00;
	v10 =	vadd.s32 v10, v7;
	v7 =	vld [tilespmem:s23+$0x3C00]  }
0x12c: {  	v14 =	vand.u32 $0x7FFF, v63;
	v12 =	vshrl.u32 v12, $0xF;
	v8 =	vshrl.u32 v63, $0xF  }
0x12d: {  	s25 =	simm.s32 $0x14000;
	s26 =	simm.s32 $0x14400;
	v9 =	vshrl.u32 v11, $0xF;
	v13 =	vadd.s32 v14, v13;
	v11 =	vand.u32 $0x7FFF, v11  }
0x12e: {  	s28 =	simm.s32 $0x10;
	s24 =	simm.s32 $0x14400;
	v11 =	vadd.s32 v11, v13;
	s23 =	simm.s32 $0x14000;
	v10 =	vadd.s32 v12, v10;
	v12 =	vand.u32 $0x7FFF, v6  }
.LBB2_10:
0x12f: {  	v8 =	vadd.s32 v8, v10;
	v10 =	vadd.s32 v12, v11;
	v6 =	vshrl.u32 v6, $0xF;
	s22 =	sadd.s32 $0x10, s22;
	s25 =	sadd.s32 $0x10, s25;
	s26 =	sadd.s32 $0x10, s26  }
0x130: {  	p0 =	sne.s32 s28, $0x3F0;
	s29 =	smov.u32 s28;
	s28 =	sadd.s32 $0x10, s28;
	v8 =	vadd.s32 v9, v8;
	v9 =	vand.u32 $0x7FFF, v7;
	v7 =	vshrl.u32 v7, $0xF  }
0x131: {  	v6 =	vadd.s32 v6, v8;
	v8 =	vadd.s32 v9, v10  }
0x132: {  	v6 =	vadd.s32 v7, v6;
	v7 =	vcvt.s32.f32 v8  }
0x133: {  	v6 =	vcvt.s32.f32 v6  }
0x134: {  	[tilespmem:s23+$0x0] =	vst v7;
	s23 =	smov.u32 s25  }
0x135: {  	[tilespmem:s24+$0x0] =	vst v6;
	v5 =	vadd.f32 v6, v5;
	s24 =	smov.u32 s26  }
0x136: {  	s29 =	sand.u32 $0x3F0, s29;
	v6 =	vld [tilespmem:s22+$0x0]  }
0x137: {  	v7 =	vld [tilespmem:s29+$0x1000]  }
0x138: {  	v8 =	vld [tilespmem:s29+$0xC00]  }
0x139: {  	v9 =	vld [tilespmem:s29+$0x800]  }
0x13a: {  	v10 =	vld [tilespmem:s29+$0x400]  }
0x13b: {  	v11 =	vshrl.u32 v6, $0xF;
	v12 =	vld [tilespmem:s29+$0x1400]  }
0x13c: {  	v6 =	vand.u32 $0x7FFF, v6  }
0x13d: {  	v13 =	vld [tilespmem:s29+$0x1800]  }
0x13e: {  	v15 =	vand.u32 $0x7FFF, v8;
	v14 =	vand.u32 $0x7FFF, v9;
	v9 =	vshrl.u32 v9, $0xF  }
0x13f: {  	v17 =	vshrl.u32 v7, $0xF;
	v16 =	vand.u32 $0x7FFF, v10;
	v10 =	vshrl.u32 v10, $0xF;
	v18 =	vld [tilespmem:s29+$0x1C00]  }
0x140: {  	v7 =	vand.u32 $0x7FFF, v7;
	v8 =	vshrl.u32 v8, $0xF;
	v6 =	vadd.s32 v6, v16;
	v16 =	vld [tilespmem:s29+$0x2000]  }
0x141: {  	v10 =	vadd.s32 v11, v10;
	v11 =	vand.u32 $0x7FFF, v12;
	v6 =	vadd.s32 v14, v6  }
0x142: {  	v12 =	vshrl.u32 v12, $0xF;
	v6 =	vadd.s32 v15, v6;
	v14 =	vshrl.u32 v13, $0xF;
	v15 =	vld [tilespmem:s29+$0x2400]  }
0x143: {  	v9 =	vadd.s32 v9, v10;
	v6 =	vadd.s32 v7, v6;
	v7 =	vand.u32 $0x7FFF, v13;
	v10 =	vld [tilespmem:s29+$0x2800]  }
0x144: {  	v8 =	vadd.s32 v8, v9;
	v6 =	vadd.s32 v11, v6;
	v9 =	vand.u32 $0x7FFF, v18;
	v11 =	vld [tilespmem:s29+$0x2C00]  }
0x145: {  	v6 =	vadd.s32 v7, v6;
	v7 =	vshrl.u32 v18, $0xF;
	v13 =	vshrl.u32 v16, $0xF;
	v18 =	vld [tilespmem:s29+$0x3000]  }
0x146: {  	v8 =	vadd.s32 v17, v8;
	v6 =	vadd.s32 v9, v6;
	v9 =	vand.u32 $0x7FFF, v16  }
0x147: {  	v8 =	vadd.s32 v12, v8;
	v6 =	vadd.s32 v9, v6;
	v9 =	vand.u32 $0x7FFF, v15;
	v12 =	vld [tilespmem:s29+$0x3400]  }
0x148: {  	v8 =	vadd.s32 v14, v8;
	v6 =	vadd.s32 v9, v6;
	v9 =	vand.u32 $0x7FFF, v10  }
0x149: {  	v7 =	vadd.s32 v7, v8;
	v8 =	vadd.s32 v9, v6;
	v9 =	vand.u32 $0x7FFF, v11;
	v6 =	vld [tilespmem:s29+$0x3800]  }
.Ltmp4:
0x14a: {  	v13 =	vadd.s32 v13, v7;
	v14 =	vadd.s32 v9, v8;
	v8 =	vshrl.u32 v18, $0xF;
	v7 =	vld [tilespmem:s29+$0x3C00];
	(pc) =	sbr.rel @p0 .LBB2_10-.Ltmp4, $4  }
0x14b: {  	v10 =	vshrl.u32 v10, $0xF;
	v9 =	vshrl.u32 v15, $0xF;
	v15 =	vand.u32 $0x7FFF, v18  }
0x14c: {  	v11 =	vshrl.u32 v11, $0xF;
	v13 =	vadd.s32 v9, v13;
	v9 =	vshrl.u32 v12, $0xF  }
0x14d: {  	v10 =	vadd.s32 v10, v13;
	v13 =	vadd.s32 v15, v14;
	v12 =	vand.u32 $0x7FFF, v12  }
0x14e: {  	v10 =	vadd.s32 v11, v10;
	v11 =	vadd.s32 v12, v13;
	v12 =	vand.u32 $0x7FFF, v6  }
0x14f: {  	v8 =	vadd.s32 v8, v10;
	v10 =	vadd.s32 v12, v11  }
0x150: {  	v6 =	vshrl.u32 v6, $0xF;
	v8 =	vadd.s32 v9, v8;
	v9 =	vand.u32 $0x7FFF, v7  }
0x151: {  	v7 =	vshrl.u32 v7, $0xF;
	v6 =	vadd.s32 v6, v8;
	v8 =	vadd.s32 v9, v10  }
0x152: {  	v6 =	vadd.s32 v7, v6;
	v7 =	vcvt.s32.f32 v8  }
0x153: {  	v6 =	vcvt.s32.f32 v6  }
0x154: {  	[tilespmem:s23+$0x0] =	vst v7  }
0x155: {  	s22 =	simm.s32 $0x14400;
	[tilespmem:s24+$0x0] =	vst v6  }
0x156: {  	s29 =	simm.s32 $0x14000;
	v7 =	vld [tilespmem:s22+$0x0]  }
0x157: {  	v8 =	vld [tilespmem:s29+$0x0]  }
0x158: {  	v5 =	vadd.f32 v6, v5;
	_ =	sdelay $0x1  }
0x159: {  	(xrf2) =	vadd.scan.msk.f32 $0xffff, v5  }
0x15a: {  	(xrf2) =	vadd.scan.msk.f32 $0xffff, v7  }
0x15b: {  	(xrf2) =	vadd.scan.msk.f32 $0xffff, v8;
	_ =	sdelay $0x7  }
0x15c: {  	v5, _, _ =	vpop (xrf2)  }
0x15d: {  	v6, _, _ =	vpop (xrf2)  }
0x15e: {  	s30 =	simm.f32 $0.0e+00;
	v7, _, _ =	vpop (xrf2)  }
0x15f: {  	v5 =	vbroadcast v5, $0xF;
	v7 =	vadd.f32 s30, v7  }
0x160: {  	v6 =	vadd.f32 s30, v6  }
0x161: {  	v8 =	vadd.f32 v7, v5;
	(xrf0) =	vmax.scan.msk.f32 $0xffff, v7  }
0x162: {  	(xrf0) =	vmax.scan.msk.f32 $0xffff, v6  }
0x163: {  	s31 =	simm.s32 $0x0;
	v8 =	vsub.f32 v8, v6  }
0x164: {  	s23 =	simm.s32 $0x14410;
	s22 =	scvt.s32.f32 s31  }
0x165: {  	v9 =	vld [tilespmem:s23+$0x0];
	v8 =	vmax.f32 v8, $5.000000000e-01  }
0x166: {  	s22 =	smul.f32 $1.600000000e+01, s22;
	(erf) = vrcp.f32 v8  }
0x167: {  	s24 =	simm.s32 $0x14010;
	v10, _, _ =	vpop (xrf0)  }
0x168: {  	v11 =	vld [tilespmem:s24+$0x0];
	v8 =	vadd.f32 s22, v4;
	v63, _, _ =	vpop (xrf0);
	(v2sf) =	vpush v10, $0xF  }
0x169: {  	(v2sf) =	vpush v63, $0xF  }
0x16a: {  	(xrf2) =	vadd.scan.msk.f32 $0xffff, v9;
	v8 =	vadd.f32 $5.000000000e-01, v8;
	_ =	sdelay $0x1  }
0x16b: {  	v8 =	vmul.f32 $-1.562500000e-02, v8  }
0x16c: {  	(xrf2) =	vadd.scan.msk.f32 $0xffff, v11  }
0x16d: {  	v6 =	vsub.f32 v5, v6;
	v8 =	vadd.f32 $9.000000000e+00, v8  }
0x16e: {  	v10 =	vpop (erf)  }
0x16f: {  	v13 =	vadd.f32 $-1.562500000e-02, v8;
	v10 =	vmul.f32 v10, v6  }
0x170: {  	vm0 =	vge.f32 v7, $5.000000000e-01  }
0x171: {  	v8 =	vmax.f32 v8, $0.0e+00;
	v9 =	vmax.f32 v13, $0.0e+00;
	v7 =	vsub.f32 $1.000000000e+00, v10  }
0x172: {  	s25 =	simm.s32 $0x1;
	s26 =	simm.s32 $0x3;
	s22 =	simm.s32 $0x2;
	v6 =	vimm.f32 $0.0e+00;
	v8 =	vsub.f32 v8, v9  }
.LBB2_12:
0x173: {  	p0 =	sne.s32 s26, $0x3F;
	v9, _, _ =	vpop (xrf2);
	v7 =	vnsel vm0, $0x0, v7  }
0x174: {  	v7 =	vmul.f32 v7, v8;
	_ =	sdelay $0x1  }
0x175: {  	v8, _, _ =	vpop (xrf2);
	v6 =	vadd.f32 v7, v6;
	s28 =	spop (v2sf)  }
0x176: {  	v7 =	vadd.f32 s28, v8;
	s28 =	spop (v2sf)  }
0x177: {  	v8 =	vadd.f32 s28, v9  }
0x178: {  	v9 =	vadd.f32 v7, v5;
	vm0 =	vge.f32 v7, $5.000000000e-01;
	(xrf0) =	vmax.scan.msk.f32 $0xffff, v7  }
0x179: {  	v7 =	vsub.f32 v5, v8;
	(xrf0) =	vmax.scan.msk.f32 $0xffff, v8  }
0x17a: {  	v8 =	vsub.f32 v9, v8  }
0x17b: {  	s23 =	sadd.s32 $0x10, s23;
	s28 =	scvt.s32.f32 s25;
	s25 =	smov.u32 s22  }
0x17c: {  	s22 =	smov.u32 s26;
	v9 =	vld [tilespmem:s23+$0x0];
	v10 =	vmax.f32 v8, $5.000000000e-01  }
0x17d: {  	s28 =	smul.f32 $1.600000000e+01, s28;
	(erf) = vrcp.f32 v10  }
0x17e: {  	s24 =	sadd.s32 $0x10, s24;
	v8, _, _ =	vpop (xrf0)  }
0x17f: {  	v11 =	vadd.f32 s28, v4;
	v10 =	vld [tilespmem:s24+$0x0];
	(v2sf) =	vpush v8, $0xF;
	v8, _, _ =	vpop (xrf0)  }
0x180: {  	(v2sf) =	vpush v8, $0xF  }
0x181: {  	v8 =	vadd.f32 $5.000000000e-01, v11;
	(xrf2) =	vadd.scan.msk.f32 $0xffff, v9;
	_ =	sdelay $0x1  }
0x182: {  	v8 =	vmul.f32 $-1.562500000e-02, v8  }
0x183: {  	(xrf2) =	vadd.scan.msk.f32 $0xffff, v10  }
0x184: {  	v8 =	vadd.f32 $9.000000000e+00, v8  }
.Ltmp5:
0x185: {  	v9 =	vpop (erf);
	(pc) =	sbr.rel @p0 .LBB2_12-.Ltmp5, $3  }
0x186: {  	v7 =	vmul.f32 v9, v7;
	v9 =	vadd.f32 $-1.562500000e-02, v8;
	_ =	sdelay $0x1  }
0x187: {  	v8 =	vmax.f32 v8, $0.0e+00;
	v7 =	vsub.f32 $1.000000000e+00, v7;
	v9 =	vmax.f32 v9, $0.0e+00  }
0x188: {  	s26 =	sadd.s32 $0x1, s26;
	v8 =	vsub.f32 v8, v9  }
0x189: {  	_ =	sdelay $0x1  }
0x18a: {  	v9, _, _ =	vpop (xrf2)  }
0x18b: {  	v10, _, _ =	vpop (xrf2);
	s26 =	spop (v2sf)  }
0x18c: {  	v10 =	vadd.f32 s26, v10  }
0x18d: {  	s30 =	spop (v2sf)  }
0x18e: {  	v9 =	vadd.f32 s30, v9;
	(xrf0) =	vmax.scan.msk.f32 $0xffff, v10;
	_ =	sdelay $0x1  }
0x18f: {  	(xrf0) =	vmax.scan.msk.f32 $0xffff, v9;
	_ =	sdelay $0x2  }
0x190: {  	s23 =	sadd.s32 $0x10, s23  }
0x191: {  	s31 =	sadd.s32 $0x10, s24;
	v11 =	vld [tilespmem:s23+$0x0];
	v12, _, _ =	vpop (xrf0)  }
0x192: {  	v13 =	vld [tilespmem:s31+$0x0];
	(v2sf) =	vpush v12, $0xF  }
0x193: {  	v51, _, _ =	vpop (xrf0)  }
0x194: {  	(v2sf) =	vpush v51, $0xF;
	_ =	sdelay $0x1  }
0x195: {  	(xrf2) =	vadd.scan.msk.f32 $0xffff, v11  }
0x196: {  	(xrf2) =	vadd.scan.msk.f32 $0xffff, v13;
	_ =	sdelay $0x8  }
0x197: {  	v11, _, _ =	vpop (xrf2)  }
0x198: {  	v52 =	vadd.f32 v10, v5;
	v13, _, _ =	vpop (xrf2);
	s24 =	spop (v2sf)  }
0x199: {  	v13 =	vadd.f32 s24, v13  }
0x19a: {  	v12 =	vsub.f32 v52, v9;
	s26 =	spop (v2sf)  }
0x19b: {  	s28 =	scvt.s32.f32 s25;
	v11 =	vadd.f32 s26, v11;
	v14 =	vadd.f32 v13, v5  }
0x19c: {  	v12 =	vmax.f32 v12, $5.000000000e-01  }
0x19d: {  	s29 =	smul.f32 $1.600000000e+01, s28;
	(erf) = vrcp.f32 v12;
	v53 =	vsub.f32 v14, v11  }
0x19e: {  	s22 =	scvt.s32.f32 s22  }
0x19f: {  	v54 =	vadd.f32 s29, v4;
	v12 =	vmax.f32 v53, $5.000000000e-01  }
0x1a0: {  	s22 =	smul.f32 $1.600000000e+01, s22;
	(erf) = vrcp.f32 v12  }
0x1a1: {  	v55 =	vadd.f32 $5.000000000e-01, v54  }
0x1a2: {  	v56 =	vadd.f32 s22, v4  }
0x1a3: {  	v12 =	vmul.f32 $-1.562500000e-02, v55  }
0x1a4: {  	v7 =	vnsel vm0, $0x0, v7;
	v14 =	vadd.f32 $5.000000000e-01, v56  }
0x1a5: {  	v7 =	vmul.f32 v7, v8;
	v9 =	vsub.f32 v5, v9;
	v12 =	vadd.f32 $9.000000000e+00, v12  }
0x1a6: {  	v15 =	vpop (erf);
	v14 =	vmul.f32 $-1.562500000e-02, v14  }
0x1a7: {  	v6 =	vadd.f32 v7, v6;
	v9 =	vmul.f32 v15, v9;
	v57 =	vadd.f32 $-1.562500000e-02, v12  }
0x1a8: {  	vm14 =	vge.f32 v10, $5.000000000e-01;
	v5 =	vsub.f32 v5, v11;
	v58 =	vadd.f32 $9.000000000e+00, v14  }
0x1a9: {  	v9 =	vsub.f32 $1.000000000e+00, v9;
	v59 =	vmax.f32 v12, $0.0e+00;
	v61 =	vmax.f32 v57, $0.0e+00;
	v60 =	vpop (erf)  }
0x1aa: {  	v62 =	vadd.f32 $-1.562500000e-02, v58;
	v7 =	vsub.f32 v59, v61;
	v5 =	vmul.f32 v60, v5  }
0x1ab: {  	v9 =	vnsel vm14, $0x0, v9;
	(xrf0) =	vmax.scan.msk.f32 $0xffff, v13;
	v8 =	vmax.f32 v58, $0.0e+00  }
0x1ac: {  	(xrf0) =	vmax.scan.msk.f32 $0xffff, v11;
	v63 =	vmax.f32 v62, $0.0e+00;
	v7 =	vmul.f32 v9, v7;
	v5 =	vsub.f32 $1.000000000e+00, v5  }
0x1ad: {  	vm15 =	vge.f32 v13, $5.000000000e-01;
	v8 =	vsub.f32 v8, v63  }
0x1ae: {  	v6 =	vadd.f32 v7, v6;
	v5 =	vnsel vm15, $0x0, v5  }
0x1af: {  	v5 =	vmul.f32 v5, v8;
	_ =	sdelay $0x1  }
0x1b0: {  	v7, _, _ =	vpop (xrf0);
	v5 =	vadd.f32 v5, v6  }
0x1b1: {  	(v2sf) =	vpush v7, $0xF;
	v6, _, _ =	vpop (xrf0)  }
0x1b2: {  	(v2sf) =	vpush v6, $0xF;
	(xrf2) =	vadd.scan.msk.f32 $0xffff, v5;
	_ =	sdelay $0x9  }
0x1b3: {  	v5, _, _ =	vpop (xrf2)  }
0x1b4: {  	v5 =	vadd.f32 $0.0e+00, v5;
	_ =	sdelay $0x1  }
0x1b5: {  	s21 =	sadd.s32 $0x1, s21;
	v5 =	vbroadcast v5, $0xF  }
0x1b6: {  	p0 =	sne.s32 s21, s10;
	s30 =	spop (v2sf)  }
.Ltmp6:
0x1b7: {  	s31 =	spop (v2sf);
	[tilespmem:$0x14800] =	vst v5;
	(pc) =	sbr.rel @p0 .LBB2_1-.Ltmp6, $4  }
0x1b8: {  	[hbm4b:s9+s4] =	stream.linear.scatter [tilespmem:s19], [sflag:$0x5], $0x80, $0x38;
	[tilespmem:$0x14880] =	vst v63  }
0x1b9: {  	_ =	swait.ge [sflag:s20], $0x80  }
0x1ba: {  	[sflag:s20] =	ssyncset.done $0x0  }
0x1bb: {  	[sflag:s20] =	ssyncadd.s32 $0xFFFFFF80  }
0x1bc: {  	_ =	sfence.sel $0x180000  }
0x1bd: {  	[bflag:$0x0] =	sbarrier.arrive $0xFFFF  }
0x1be: {  	p0 =	sne.s32 s3, $0x0;
	_ =	strace $0x90000047  }
0x1bf: {  	s0 =	sadd.s32 @!p0 $0x100000, s2;
	[bflag:$0x2] =	sbarrier.arrive $0xFFFF  }
0x1c0: {  	[sflag:s0] =	ssyncadd.tile.s32 @!p0 $0x1;
	_ =	shalt  }
.Lfunc_end2:
_tile_overlayer_lowered:
.L_overlay_start_2:
0x1c1: {  	(tag) =	ssettag $0x2  }
0x1c2: {  	s0 =	rddreg [dreg:$0x0];
	s2 =	stileid.u32  }
0x1c3: {  	s1 =	rddreg [dreg:$0x1];
	p0 =	sne.s32 s2, $0x0  }
0x1c4: {  	s3 =	rddreg [dreg:$0x2];
	[bflag:$0x3] =	sbarrier.arrive $0xFFFF;
	s2 =	simm.s32 @!p0 $0x1C05  }
0x1c5: {  	[timem:s3], [sflag:s2] =	dma.local @!p0 [hbm:s0], s1  }
0x1c6: {  	s0 =	simm.s32 @!p0 $0x5  }
0x1c7: {  	_ =	swait.ge @!p0 [sflag:s0], s1  }
0x1c8: {  	s1 =	ssub.s32 @!p0 $0x0, s1;
	[sflag:s0] =	ssyncset.done @!p0 $0x0  }
0x1c9: {  	[sflag:s0] =	ssyncadd.s32 @!p0 s1  }
0x1ca: {  	[bflag:$0x3] =	sbarrier.arrive $0xFFFF  }
0x1cb: {  	_ =	shalt  }

</sc_bundles>
